<compile_context>
chip_gen: v7x
topology: tpu7x:2x2x1
jax: 0.10.2.dev20260603
libtpu: 0.0.44.dev20260713+nightly
codegen_flags: <defaults>
</compile_context>

<pallas_src>
import functools

import jax
import jax.numpy as jnp
from jax import lax
from jax.experimental import pallas as pl
from jax.experimental.pallas import tpu as pltpu
from jax.experimental.pallas import tpu_sc as plsc

_N = 20000
_C = 91
_NPAD = 20480
_BPW = 640
_RB = 2000


def _ce_body(x_ref, lab_ref, o_ref):
    i = pl.program_id(0)

    @pl.when(i == 0)
    def _():
        o_ref[...] = jnp.zeros((1, 1), jnp.float32)

    x = x_ref[...]
    lab = lab_ref[...]
    m = jnp.max(x, axis=1, keepdims=True)
    e = jnp.exp(x - m)
    s = jnp.sum(e, axis=1, keepdims=True)
    lse = jnp.log(s) + m
    cols = lax.broadcasted_iota(jnp.int32, x.shape, 1)
    sel = jnp.sum(jnp.where(cols == lab, x, 0.0), axis=1, keepdims=True)
    o_ref[...] += (jnp.sum(lse - sel) * (1.0 / _N)).reshape(1, 1)


def _box_body(box_hbm, lab_hbm, tgt_hbm, sum_hbm, cnt_hbm,
              lab_v, tgt_v, idx_v, pred_v, acc_v, cnt_v, sem):
    c = lax.axis_index("c")
    s = lax.axis_index("s")
    wid = s * 2 + c
    base = wid * _BPW
    nel = _BPW * 4

    pltpu.sync_copy(lab_hbm.at[pl.ds(base, _BPW)], lab_v)
    for k in range(4):
        pltpu.sync_copy(tgt_hbm.at[pl.ds(k * _NPAD + base, _BPW)],
                        tgt_v.at[pl.ds(k * _BPW, _BPW)])

    def idx_body(j, carry):
        lane = lax.iota(jnp.int32, 16)
        lab = lab_v[pl.ds(j * 16, 16)]
        gi = jnp.minimum(base + j * 16 + lane, _N - 1)
        b4 = (gi * _C + lab) * 4
        for k in range(4):
            idx_v[pl.ds(k * _BPW + j * 16, 16)] = b4 + k
        return carry

    lax.fori_loop(0, _BPW // 16, idx_body, 0)

    copies = [
        pltpu.async_copy(
            box_hbm.at[idx_v.at[pl.ds(g * 128, 128)]],
            pred_v.at[pl.ds(g * 128, 128)],
            sem,
        )
        for g in range(nel // 128)
    ]
    for cp in copies:
        cp.wait()

    zero = jnp.zeros((16,), jnp.float32)

    def red_body(j, carry):
        acc, cnt = carry
        lab = lab_v[pl.ds(j * 16, 16)]
        m = jnp.where(lab > 0, 1.0, 0.0)
        cnt = cnt + m
        for k in range(4):
            v = pred_v[pl.ds(k * _BPW + j * 16, 16)]
            t = tgt_v[pl.ds(k * _BPW + j * 16, 16)]
            d = v - t
            ad = jnp.abs(d)
            el = jnp.where(ad < 1.0, 0.5 * d * d, ad - 0.5)
            acc = acc + el * m
        return (acc, cnt)

    acc, cnt = lax.fori_loop(0, _BPW // 16, red_body, (zero, zero))

    acc_v[...] = acc
    cnt_v[...] = cnt
    pltpu.sync_copy(acc_v, sum_hbm.at[wid])
    pltpu.sync_copy(cnt_v, cnt_hbm.at[wid])


def _make_sc_box():
    return functools.partial(
        pl.kernel,
        out_type=(
            jax.ShapeDtypeStruct((32, 16), jnp.float32),
            jax.ShapeDtypeStruct((32, 16), jnp.float32),
        ),
        mesh=plsc.VectorSubcoreMesh(core_axis_name="c", subcore_axis_name="s"),
        scratch_types=[
            pltpu.VMEM((_BPW,), jnp.int32),
            pltpu.VMEM((_BPW * 4,), jnp.float32),
            pltpu.VMEM((_BPW * 4,), jnp.int32),
            pltpu.VMEM((_BPW * 4,), jnp.float32),
            pltpu.VMEM((16,), jnp.float32),
            pltpu.VMEM((16,), jnp.float32),
            pltpu.SemaphoreType.DMA,
        ],
    )(_box_body)


def kernel(class_logits, box_regression, labels, regression_targets):
    labels = labels.astype(jnp.int32)

    nll = pl.pallas_call(
        _ce_body,
        grid=(_N // _RB,),
        in_specs=[
            pl.BlockSpec((_RB, _C), lambda i: (i, 0)),
            pl.BlockSpec((_RB, 1), lambda i: (i, 0)),
        ],
        out_specs=pl.BlockSpec((1, 1), lambda i: (0, 0)),
        out_shape=jax.ShapeDtypeStruct((1, 1), jnp.float32),
    )(class_logits, labels[:, None])

    lab_p = jnp.pad(labels, (0, _NPAD - _N))
    tgt_p = jnp.pad(regression_targets, ((0, _NPAD - _N), (0, 0))).T.reshape(4 * _NPAD)
    box_flat = box_regression.reshape(_N * _C * 4)
    sums, cnts = _make_sc_box()(box_flat, lab_p, tgt_p)

    ce = nll[0, 0]
    box = jnp.sum(sums) / (jnp.sum(cnts) * 4.0)
    return (ce, box)

# --- scband reference (transcript-rebuilt; emitter-appended) ---
"""Pipeline reference for scband-detection-loss-25950192403124 (READ-ONLY COPY).

The authoritative reference and input builder live on the scoring server;
editing this copy changes nothing except your own understanding.
"""

import jax, jax.numpy as jnp
import numpy as np

N = 20000
C = 91

def setup_inputs(seed: int = 0) -> dict:
    key = jax.random.key(seed)
    k1, k2, k3, k4 = jax.random.split(key, 4)
    class_logits = jax.random.normal(k1, (N, C), dtype=jnp.float32)
    box_regression = jax.random.normal(k2, (N, C, 4), dtype=jnp.float32)
    labels = jax.random.randint(k3, (N,), 0, 91, dtype=jnp.int32)
    regression_targets = jax.random.normal(k4, (N, 4), dtype=jnp.float32)
    return {
        "class_logits": class_logits,
        "box_regression": box_regression,
        "labels": labels,
        "regression_targets": regression_targets,
    }


def reference(class_logits, box_regression, labels, regression_targets):
    # classification_loss = F.cross_entropy(class_logits, labels)
    logp = jax.nn.log_softmax(class_logits, axis=-1)
    nll = -jnp.take_along_axis(logp, labels[:, None].astype(jnp.int32), axis=-1)[:, 0]
    classification_loss = jnp.mean(nll)

    # sampled_pos_inds_subset = torch.nonzero(labels > 0).squeeze(1)
    pos_mask = labels > 0
    num_pos = jnp.sum(pos_mask)

    # smooth_l1 (beta=1.0) between box_regression[pos, labels_pos] and regression_targets[pos]
    pred = jnp.take_along_axis(
        box_regression, labels[:, None, None].astype(jnp.int32), axis=1
    )[:, 0, :]
    tgt = regression_targets
    diff = pred - tgt
    ad = jnp.abs(diff)
    elem = jnp.where(ad < 1.0, 0.5 * diff * diff, ad - 0.5)
    elem = jnp.where(pos_mask[:, None], elem, jnp.zeros_like(elem))
    box_regression_loss = jnp.sum(elem) / (num_pos * 4).astype(elem.dtype)

    return (classification_loss, box_regression_loss)

if __name__ == "__main__":
    import jax
    _d = setup_inputs()
    print(jax.jit(kernel)(*tuple(_d.values())))

</pallas_src>

<mosaic_0001>
#map = affine_map<(d0, d1) -> (0)>
#map1 = affine_map<(d0, d1) -> (0, 0)>
module attributes {stable_mosaic.version = 14 : i64} {
  func.func @_box_body(%arg0: i32, %arg1: i32, %arg2: memref<7280000xf32, #tpu.memory_space<hbm>>, %arg3: memref<20480xi32, #tpu.memory_space<hbm>>, %arg4: memref<81920xf32, #tpu.memory_space<hbm>>, %arg5: memref<32x16xf32, #tpu.memory_space<hbm>>, %arg6: memref<32x16xf32, #tpu.memory_space<hbm>>, %arg7: memref<640xi32, #tpu.memory_space<vmem>>, %arg8: memref<2560xf32, #tpu.memory_space<vmem>>, %arg9: memref<2560xi32, #tpu.memory_space<vmem>>, %arg10: memref<2560xf32, #tpu.memory_space<vmem>>, %arg11: memref<16xf32, #tpu.memory_space<vmem>>, %arg12: memref<16xf32, #tpu.memory_space<vmem>>, %arg13: memref<!tpu.dma_semaphore, #tpu.memory_space<semaphore_mem>>) attributes {dimension_semantics = [#tpu.dimension_semantics<core_parallel>, #tpu.dimension_semantics<subcore_parallel>], iteration_bounds = array<i64: 2, 16>, scalar_prefetch = 0 : i64, scratch_operands = 7 : i64, tpu.core_type = #tpu.core_type<sc_vector_subcore>, window_params = [{transform_indices = #map}, {transform_indices = #map}, {transform_indices = #map}, {transform_indices = #map1}, {transform_indices = #map1}]} {
    %mul3A = arith.constant 2 : i32
    %mul3A_0 = arith.muli %arg1, %mul3A : i32
    %add3A = arith.addi %mul3A_0, %arg0 : i32
    %mul3A_1 = arith.constant 640 : i32
    %mul3A_2 = arith.muli %add3A, %mul3A_1 : i32
    "tpu.region"() ({
      %run_scoped3A = tpu.sem_alloc : memref<!tpu.dma_semaphore, #tpu.memory_space<semaphore_mem>>
      %dma_start3A_268 = tpu.memref_slice %arg3[%mul3A_2] : memref<20480xi32, #tpu.memory_space<hbm>> -> memref<640xi32, #tpu.memory_space<hbm>>
      %dma_start3A_269 = tpu.memref_slice %arg3[%mul3A_2] : memref<20480xi32, #tpu.memory_space<hbm>> -> memref<640xi32, #tpu.memory_space<hbm>>
      tpu.enqueue_dma source(%dma_start3A_269 : memref<640xi32, #tpu.memory_space<hbm>>) target(%arg7 : memref<640xi32, #tpu.memory_space<vmem>>) target_semaphore(%run_scoped3A : memref<!tpu.dma_semaphore, #tpu.memory_space<semaphore_mem>>)
      %dma_wait3A_270 = tpu.memref_slice %arg3[%mul3A_2] : memref<20480xi32, #tpu.memory_space<hbm>> -> memref<640xi32, #tpu.memory_space<hbm>>
      %dma_wait3A_271 = tpu.memref_slice %arg3[%mul3A_2] : memref<20480xi32, #tpu.memory_space<hbm>> -> memref<640xi32, #tpu.memory_space<hbm>>
      tpu.wait_dma2 semaphore(%run_scoped3A : memref<!tpu.dma_semaphore, #tpu.memory_space<semaphore_mem>>) src(%dma_wait3A_271 : memref<640xi32, #tpu.memory_space<hbm>>) dst(%arg7 : memref<640xi32, #tpu.memory_space<vmem>>)
      tpu.yield
    }) : () -> ()
    %add3A_3 = arith.constant 0 : i32
    %add3A_4 = arith.addi %add3A_3, %mul3A_2 : i32
    "tpu.region"() ({
      %run_scoped3A = tpu.sem_alloc : memref<!tpu.dma_semaphore, #tpu.memory_space<semaphore_mem>>
      %dma_start3A_268 = arith.constant 0 : i32
      %dma_start3A_269 = tpu.memref_slice %arg8[%dma_start3A_268] : memref<2560xf32, #tpu.memory_space<vmem>> -> memref<640xf32, #tpu.memory_space<vmem>>
      %dma_start3A_270 = tpu.memref_slice %arg4[%add3A_4] : memref<81920xf32, #tpu.memory_space<hbm>> -> memref<640xf32, #tpu.memory_space<hbm>>
      %dma_start3A_271 = arith.constant 0 : i32
      %dma_start3A_272 = tpu.memref_slice %arg8[%dma_start3A_271] : memref<2560xf32, #tpu.memory_space<vmem>> -> memref<640xf32, #tpu.memory_space<vmem>>
      %dma_start3A_273 = tpu.memref_slice %arg4[%add3A_4] : memref<81920xf32, #tpu.memory_space<hbm>> -> memref<640xf32, #tpu.memory_space<hbm>>
      tpu.enqueue_dma source(%dma_start3A_273 : memref<640xf32, #tpu.memory_space<hbm>>) target(%dma_start3A_272 : memref<640xf32, #tpu.memory_space<vmem>>) target_semaphore(%run_scoped3A : memref<!tpu.dma_semaphore, #tpu.memory_space<semaphore_mem>>)
      %dma_wait3A_274 = arith.constant 0 : i32
      %dma_wait3A_275 = tpu.memref_slice %arg8[%dma_wait3A_274] : memref<2560xf32, #tpu.memory_space<vmem>> -> memref<640xf32, #tpu.memory_space<vmem>>
      %dma_wait3A_276 = tpu.memref_slice %arg4[%add3A_4] : memref<81920xf32, #tpu.memory_space<hbm>> -> memref<640xf32, #tpu.memory_space<hbm>>
      %dma_wait3A_277 = arith.constant 0 : i32
      %dma_wait3A_278 = tpu.memref_slice %arg8[%dma_wait3A_277] : memref<2560xf32, #tpu.memory_space<vmem>> -> memref<640xf32, #tpu.memory_space<vmem>>
      %dma_wait3A_279 = tpu.memref_slice %arg4[%add3A_4] : memref<81920xf32, #tpu.memory_space<hbm>> -> memref<640xf32, #tpu.memory_space<hbm>>
      tpu.wait_dma2 semaphore(%run_scoped3A : memref<!tpu.dma_semaphore, #tpu.memory_space<semaphore_mem>>) src(%dma_wait3A_279 : memref<640xf32, #tpu.memory_space<hbm>>) dst(%dma_wait3A_278 : memref<640xf32, #tpu.memory_space<vmem>>)
      tpu.yield
    }) : () -> ()
    %add3A_5 = arith.constant 20480 : i32
    %add3A_6 = arith.addi %add3A_5, %mul3A_2 : i32
    "tpu.region"() ({
      %run_scoped3A = tpu.sem_alloc : memref<!tpu.dma_semaphore, #tpu.memory_space<semaphore_mem>>
      %dma_start3A_268 = arith.constant 640 : i32
      %dma_start3A_269 = tpu.memref_slice %arg8[%dma_start3A_268] : memref<2560xf32, #tpu.memory_space<vmem>> -> memref<640xf32, #tpu.memory_space<vmem>>
      %dma_start3A_270 = tpu.memref_slice %arg4[%add3A_6] : memref<81920xf32, #tpu.memory_space<hbm>> -> memref<640xf32, #tpu.memory_space<hbm>>
      %dma_start3A_271 = arith.constant 640 : i32
      %dma_start3A_272 = tpu.memref_slice %arg8[%dma_start3A_271] : memref<2560xf32, #tpu.memory_space<vmem>> -> memref<640xf32, #tpu.memory_space<vmem>>
      %dma_start3A_273 = tpu.memref_slice %arg4[%add3A_6] : memref<81920xf32, #tpu.memory_space<hbm>> -> memref<640xf32, #tpu.memory_space<hbm>>
      tpu.enqueue_dma source(%dma_start3A_273 : memref<640xf32, #tpu.memory_space<hbm>>) target(%dma_start3A_272 : memref<640xf32, #tpu.memory_space<vmem>>) target_semaphore(%run_scoped3A : memref<!tpu.dma_semaphore, #tpu.memory_space<semaphore_mem>>)
      %dma_wait3A_274 = arith.constant 640 : i32
      %dma_wait3A_275 = tpu.memref_slice %arg8[%dma_wait3A_274] : memref<2560xf32, #tpu.memory_space<vmem>> -> memref<640xf32, #tpu.memory_space<vmem>>
      %dma_wait3A_276 = tpu.memref_slice %arg4[%add3A_6] : memref<81920xf32, #tpu.memory_space<hbm>> -> memref<640xf32, #tpu.memory_space<hbm>>
      %dma_wait3A_277 = arith.constant 640 : i32
      %dma_wait3A_278 = tpu.memref_slice %arg8[%dma_wait3A_277] : memref<2560xf32, #tpu.memory_space<vmem>> -> memref<640xf32, #tpu.memory_space<vmem>>
      %dma_wait3A_279 = tpu.memref_slice %arg4[%add3A_6] : memref<81920xf32, #tpu.memory_space<hbm>> -> memref<640xf32, #tpu.memory_space<hbm>>
      tpu.wait_dma2 semaphore(%run_scoped3A : memref<!tpu.dma_semaphore, #tpu.memory_space<semaphore_mem>>) src(%dma_wait3A_279 : memref<640xf32, #tpu.memory_space<hbm>>) dst(%dma_wait3A_278 : memref<640xf32, #tpu.memory_space<vmem>>)
      tpu.yield
    }) : () -> ()
    %add3A_7 = arith.constant 40960 : i32
    %add3A_8 = arith.addi %add3A_7, %mul3A_2 : i32
    "tpu.region"() ({
      %run_scoped3A = tpu.sem_alloc : memref<!tpu.dma_semaphore, #tpu.memory_space<semaphore_mem>>
      %dma_start3A_268 = arith.constant 1280 : i32
      %dma_start3A_269 = tpu.memref_slice %arg8[%dma_start3A_268] : memref<2560xf32, #tpu.memory_space<vmem>> -> memref<640xf32, #tpu.memory_space<vmem>>
      %dma_start3A_270 = tpu.memref_slice %arg4[%add3A_8] : memref<81920xf32, #tpu.memory_space<hbm>> -> memref<640xf32, #tpu.memory_space<hbm>>
      %dma_start3A_271 = arith.constant 1280 : i32
      %dma_start3A_272 = tpu.memref_slice %arg8[%dma_start3A_271] : memref<2560xf32, #tpu.memory_space<vmem>> -> memref<640xf32, #tpu.memory_space<vmem>>
      %dma_start3A_273 = tpu.memref_slice %arg4[%add3A_8] : memref<81920xf32, #tpu.memory_space<hbm>> -> memref<640xf32, #tpu.memory_space<hbm>>
      tpu.enqueue_dma source(%dma_start3A_273 : memref<640xf32, #tpu.memory_space<hbm>>) target(%dma_start3A_272 : memref<640xf32, #tpu.memory_space<vmem>>) target_semaphore(%run_scoped3A : memref<!tpu.dma_semaphore, #tpu.memory_space<semaphore_mem>>)
      %dma_wait3A_274 = arith.constant 1280 : i32
      %dma_wait3A_275 = tpu.memref_slice %arg8[%dma_wait3A_274] : memref<2560xf32, #tpu.memory_space<vmem>> -> memref<640xf32, #tpu.memory_space<vmem>>
      %dma_wait3A_276 = tpu.memref_slice %arg4[%add3A_8] : memref<81920xf32, #tpu.memory_space<hbm>> -> memref<640xf32, #tpu.memory_space<hbm>>
      %dma_wait3A_277 = arith.constant 1280 : i32
      %dma_wait3A_278 = tpu.memref_slice %arg8[%dma_wait3A_277] : memref<2560xf32, #tpu.memory_space<vmem>> -> memref<640xf32, #tpu.memory_space<vmem>>
      %dma_wait3A_279 = tpu.memref_slice %arg4[%add3A_8] : memref<81920xf32, #tpu.memory_space<hbm>> -> memref<640xf32, #tpu.memory_space<hbm>>
      tpu.wait_dma2 semaphore(%run_scoped3A : memref<!tpu.dma_semaphore, #tpu.memory_space<semaphore_mem>>) src(%dma_wait3A_279 : memref<640xf32, #tpu.memory_space<hbm>>) dst(%dma_wait3A_278 : memref<640xf32, #tpu.memory_space<vmem>>)
      tpu.yield
    }) : () -> ()
    %add3A_9 = arith.constant 61440 : i32
    %add3A_10 = arith.addi %add3A_9, %mul3A_2 : i32
    "tpu.region"() ({
      %run_scoped3A = tpu.sem_alloc : memref<!tpu.dma_semaphore, #tpu.memory_space<semaphore_mem>>
      %dma_start3A_268 = arith.constant 1920 : i32
      %dma_start3A_269 = tpu.memref_slice %arg8[%dma_start3A_268] : memref<2560xf32, #tpu.memory_space<vmem>> -> memref<640xf32, #tpu.memory_space<vmem>>
      %dma_start3A_270 = tpu.memref_slice %arg4[%add3A_10] : memref<81920xf32, #tpu.memory_space<hbm>> -> memref<640xf32, #tpu.memory_space<hbm>>
      %dma_start3A_271 = arith.constant 1920 : i32
      %dma_start3A_272 = tpu.memref_slice %arg8[%dma_start3A_271] : memref<2560xf32, #tpu.memory_space<vmem>> -> memref<640xf32, #tpu.memory_space<vmem>>
      %dma_start3A_273 = tpu.memref_slice %arg4[%add3A_10] : memref<81920xf32, #tpu.memory_space<hbm>> -> memref<640xf32, #tpu.memory_space<hbm>>
      tpu.enqueue_dma source(%dma_start3A_273 : memref<640xf32, #tpu.memory_space<hbm>>) target(%dma_start3A_272 : memref<640xf32, #tpu.memory_space<vmem>>) target_semaphore(%run_scoped3A : memref<!tpu.dma_semaphore, #tpu.memory_space<semaphore_mem>>)
      %dma_wait3A_274 = arith.constant 1920 : i32
      %dma_wait3A_275 = tpu.memref_slice %arg8[%dma_wait3A_274] : memref<2560xf32, #tpu.memory_space<vmem>> -> memref<640xf32, #tpu.memory_space<vmem>>
      %dma_wait3A_276 = tpu.memref_slice %arg4[%add3A_10] : memref<81920xf32, #tpu.memory_space<hbm>> -> memref<640xf32, #tpu.memory_space<hbm>>
      %dma_wait3A_277 = arith.constant 1920 : i32
      %dma_wait3A_278 = tpu.memref_slice %arg8[%dma_wait3A_277] : memref<2560xf32, #tpu.memory_space<vmem>> -> memref<640xf32, #tpu.memory_space<vmem>>
      %dma_wait3A_279 = tpu.memref_slice %arg4[%add3A_10] : memref<81920xf32, #tpu.memory_space<hbm>> -> memref<640xf32, #tpu.memory_space<hbm>>
      tpu.wait_dma2 semaphore(%run_scoped3A : memref<!tpu.dma_semaphore, #tpu.memory_space<semaphore_mem>>) src(%dma_wait3A_279 : memref<640xf32, #tpu.memory_space<hbm>>) dst(%dma_wait3A_278 : memref<640xf32, #tpu.memory_space<vmem>>)
      tpu.yield
    }) : () -> ()
    %scan3A = arith.constant 0 : i32
    %scan3A_11 = arith.constant 0 : i32
    %scan3A_12 = arith.constant 40 : i32
    %scan3A_13 = arith.addi %scan3A_11, %scan3A_12 : i32
    %scan3A_14 = arith.constant 1 : i32
    scf.for %scan3A_268 = %scan3A_11 to %scan3A_13 step %scan3A_14  : i32 {
      %iota3A = tpu.iota {dimensions = array<i32: 0>} : vector<16xi32>
      %mul3A_269 = arith.constant 16 : i32
      %mul3A_270 = arith.muli %scan3A_268, %mul3A_269 : i32
      %get3A = arith.index_cast %mul3A_270 : i32 to index
      %get3A_271 = tpu.vector_load %arg7[%get3A] {strides = array<i32>} : memref<640xi32, #tpu.memory_space<vmem>>, vector<16xi32>,
      %get3A_272 = vector.shape_cast %get3A_271 : vector<16xi32> to vector<16xi32>
      %mul3A_273 = arith.constant 16 : i32
      %mul3A_274 = arith.muli %scan3A_268, %mul3A_273 : i32
      %add3A_275 = arith.addi %mul3A_2, %mul3A_274 : i32
      %add3A_276 = vector.broadcast %add3A_275 : i32 to vector<16xi32>
      %add3A_277 = arith.addi %add3A_276, %iota3A : vector<16xi32>
      %min3A = arith.constant 19999 : i32
      %min3A_278 = vector.broadcast %min3A : i32 to vector<16xi32>
      %min3A_279 = arith.minsi %add3A_277, %min3A_278 : vector<16xi32>
      %mul3A_280 = arith.constant 91 : i32
      %mul3A_281 = vector.broadcast %mul3A_280 : i32 to vector<16xi32>
      %mul3A_282 = arith.muli %min3A_279, %mul3A_281 : vector<16xi32>
      %add3A_283 = arith.addi %mul3A_282, %get3A_272 : vector<16xi32>
      %mul3A_284 = arith.constant 4 : i32
      %mul3A_285 = vector.broadcast %mul3A_284 : i32 to vector<16xi32>
      %mul3A_286 = arith.muli %add3A_283, %mul3A_285 : vector<16xi32>
      %add3A_287 = arith.constant 0 : i32
      %add3A_288 = vector.broadcast %add3A_287 : i32 to vector<16xi32>
      %add3A_289 = arith.addi %mul3A_286, %add3A_288 : vector<16xi32>
      %mul3A_290 = arith.constant 16 : i32
      %mul3A_291 = arith.muli %scan3A_268, %mul3A_290 : i32
      %add3A_292 = arith.constant 0 : i32
      %add3A_293 = arith.addi %add3A_292, %mul3A_291 : i32
      %swap3A_294 = arith.index_cast %add3A_293 : i32 to index
      %swap3A_295 = tpu.vector_load %arg9[%swap3A_294] {strides = array<i32>} : memref<2560xi32, #tpu.memory_space<vmem>>, vector<16xi32>,
      %swap3A_296 = vector.shape_cast %swap3A_295 : vector<16xi32> to vector<16xi32>
      %swap3A_297 = vector.shape_cast %add3A_289 : vector<16xi32> to vector<16xi32>
      tpu.vector_store %arg9[%swap3A_294], %swap3A_297 {strides = array<i32>} : memref<2560xi32, #tpu.memory_space<vmem>>, vector<16xi32>,
      %add3A_298 = arith.constant 1 : i32
      %add3A_299 = vector.broadcast %add3A_298 : i32 to vector<16xi32>
      %add3A_300 = arith.addi %mul3A_286, %add3A_299 : vector<16xi32>
      %mul3A_301 = arith.constant 16 : i32
      %mul3A_302 = arith.muli %scan3A_268, %mul3A_301 : i32
      %add3A_303 = arith.constant 640 : i32
      %add3A_304 = arith.addi %add3A_303, %mul3A_302 : i32
      %swap3A_305 = arith.index_cast %add3A_304 : i32 to index
      %swap3A_306 = tpu.vector_load %arg9[%swap3A_305] {strides = array<i32>} : memref<2560xi32, #tpu.memory_space<vmem>>, vector<16xi32>,
      %swap3A_307 = vector.shape_cast %swap3A_306 : vector<16xi32> to vector<16xi32>
      %swap3A_308 = vector.shape_cast %add3A_300 : vector<16xi32> to vector<16xi32>
      tpu.vector_store %arg9[%swap3A_305], %swap3A_308 {strides = array<i32>} : memref<2560xi32, #tpu.memory_space<vmem>>, vector<16xi32>,
      %add3A_309 = arith.constant 2 : i32
      %add3A_310 = vector.broadcast %add3A_309 : i32 to vector<16xi32>
      %add3A_311 = arith.addi %mul3A_286, %add3A_310 : vector<16xi32>
      %mul3A_312 = arith.constant 16 : i32
      %mul3A_313 = arith.muli %scan3A_268, %mul3A_312 : i32
      %add3A_314 = arith.constant 1280 : i32
      %add3A_315 = arith.addi %add3A_314, %mul3A_313 : i32
      %swap3A_316 = arith.index_cast %add3A_315 : i32 to index
      %swap3A_317 = tpu.vector_load %arg9[%swap3A_316] {strides = array<i32>} : memref<2560xi32, #tpu.memory_space<vmem>>, vector<16xi32>,
      %swap3A_318 = vector.shape_cast %swap3A_317 : vector<16xi32> to vector<16xi32>
      %swap3A_319 = vector.shape_cast %add3A_311 : vector<16xi32> to vector<16xi32>
      tpu.vector_store %arg9[%swap3A_316], %swap3A_319 {strides = array<i32>} : memref<2560xi32, #tpu.memory_space<vmem>>, vector<16xi32>,
      %add3A_320 = arith.constant 3 : i32
      %add3A_321 = vector.broadcast %add3A_320 : i32 to vector<16xi32>
      %add3A_322 = arith.addi %mul3A_286, %add3A_321 : vector<16xi32>
      %mul3A_323 = arith.constant 16 : i32
      %mul3A_324 = arith.muli %scan3A_268, %mul3A_323 : i32
      %add3A_325 = arith.constant 1920 : i32
      %add3A_326 = arith.addi %add3A_325, %mul3A_324 : i32
      %swap3A_327 = arith.index_cast %add3A_326 : i32 to index
      %swap3A_328 = tpu.vector_load %arg9[%swap3A_327] {strides = array<i32>} : memref<2560xi32, #tpu.memory_space<vmem>>, vector<16xi32>,
      %swap3A_329 = vector.shape_cast %swap3A_328 : vector<16xi32> to vector<16xi32>
      %swap3A_330 = vector.shape_cast %add3A_322 : vector<16xi32> to vector<16xi32>
      tpu.vector_store %arg9[%swap3A_327], %swap3A_330 {strides = array<i32>} : memref<2560xi32, #tpu.memory_space<vmem>>, vector<16xi32>,
    }
    %scan3A_15 = arith.constant 40 : i32
    %dma_start3A = arith.constant 0 : i32
    %dma_start3A_16 = tpu.memref_slice %arg10[%dma_start3A] : memref<2560xf32, #tpu.memory_space<vmem>> -> memref<128xf32, #tpu.memory_space<vmem>>
    %dma_start3A_17 = arith.constant 0 : i32
    %dma_start3A_18 = tpu.memref_slice %arg9[%dma_start3A_17] : memref<2560xi32, #tpu.memory_space<vmem>> -> memref<128xi32, #tpu.memory_space<vmem>>
    %dma_start3A_19 = arith.constant 0 : i32
    %dma_start3A_20 = tpu.memref_slice %arg2[%dma_start3A_19] : memref<7280000xf32, #tpu.memory_space<hbm>> -> memref<7280000xf32, #tpu.memory_space<hbm>>
    tpu.enqueue_indirect_dma source(%dma_start3A_20 : memref<7280000xf32, #tpu.memory_space<hbm>>) target(%dma_start3A_16 : memref<128xf32, #tpu.memory_space<vmem>>) offsets(%dma_start3A_18 : memref<128xi32, #tpu.memory_space<vmem>>) semaphore(%arg13 : memref<!tpu.dma_semaphore, #tpu.memory_space<semaphore_mem>>)
    %dma_start3A_21 = arith.constant 128 : i32
    %dma_start3A_22 = tpu.memref_slice %arg10[%dma_start3A_21] : memref<2560xf32, #tpu.memory_space<vmem>> -> memref<128xf32, #tpu.memory_space<vmem>>
    %dma_start3A_23 = arith.constant 128 : i32
    %dma_start3A_24 = tpu.memref_slice %arg9[%dma_start3A_23] : memref<2560xi32, #tpu.memory_space<vmem>> -> memref<128xi32, #tpu.memory_space<vmem>>
    %dma_start3A_25 = arith.constant 0 : i32
    %dma_start3A_26 = tpu.memref_slice %arg2[%dma_start3A_25] : memref<7280000xf32, #tpu.memory_space<hbm>> -> memref<7280000xf32, #tpu.memory_space<hbm>>
    tpu.enqueue_indirect_dma source(%dma_start3A_26 : memref<7280000xf32, #tpu.memory_space<hbm>>) target(%dma_start3A_22 : memref<128xf32, #tpu.memory_space<vmem>>) offsets(%dma_start3A_24 : memref<128xi32, #tpu.memory_space<vmem>>) semaphore(%arg13 : memref<!tpu.dma_semaphore, #tpu.memory_space<semaphore_mem>>)
    %dma_start3A_27 = arith.constant 256 : i32
    %dma_start3A_28 = tpu.memref_slice %arg10[%dma_start3A_27] : memref<2560xf32, #tpu.memory_space<vmem>> -> memref<128xf32, #tpu.memory_space<vmem>>
    %dma_start3A_29 = arith.constant 256 : i32
    %dma_start3A_30 = tpu.memref_slice %arg9[%dma_start3A_29] : memref<2560xi32, #tpu.memory_space<vmem>> -> memref<128xi32, #tpu.memory_space<vmem>>
    %dma_start3A_31 = arith.constant 0 : i32
    %dma_start3A_32 = tpu.memref_slice %arg2[%dma_start3A_31] : memref<7280000xf32, #tpu.memory_space<hbm>> -> memref<7280000xf32, #tpu.memory_space<hbm>>
    tpu.enqueue_indirect_dma source(%dma_start3A_32 : memref<7280000xf32, #tpu.memory_space<hbm>>) target(%dma_start3A_28 : memref<128xf32, #tpu.memory_space<vmem>>) offsets(%dma_start3A_30 : memref<128xi32, #tpu.memory_space<vmem>>) semaphore(%arg13 : memref<!tpu.dma_semaphore, #tpu.memory_space<semaphore_mem>>)
    %dma_start3A_33 = arith.constant 384 : i32
    %dma_start3A_34 = tpu.memref_slice %arg10[%dma_start3A_33] : memref<2560xf32, #tpu.memory_space<vmem>> -> memref<128xf32, #tpu.memory_space<vmem>>
    %dma_start3A_35 = arith.constant 384 : i32
    %dma_start3A_36 = tpu.memref_slice %arg9[%dma_start3A_35] : memref<2560xi32, #tpu.memory_space<vmem>> -> memref<128xi32, #tpu.memory_space<vmem>>
    %dma_start3A_37 = arith.constant 0 : i32
    %dma_start3A_38 = tpu.memref_slice %arg2[%dma_start3A_37] : memref<7280000xf32, #tpu.memory_space<hbm>> -> memref<7280000xf32, #tpu.memory_space<hbm>>
    tpu.enqueue_indirect_dma source(%dma_start3A_38 : memref<7280000xf32, #tpu.memory_space<hbm>>) target(%dma_start3A_34 : memref<128xf32, #tpu.memory_space<vmem>>) offsets(%dma_start3A_36 : memref<128xi32, #tpu.memory_space<vmem>>) semaphore(%arg13 : memref<!tpu.dma_semaphore, #tpu.memory_space<semaphore_mem>>)
    %dma_start3A_39 = arith.constant 512 : i32
    %dma_start3A_40 = tpu.memref_slice %arg10[%dma_start3A_39] : memref<2560xf32, #tpu.memory_space<vmem>> -> memref<128xf32, #tpu.memory_space<vmem>>
    %dma_start3A_41 = arith.constant 512 : i32
    %dma_start3A_42 = tpu.memref_slice %arg9[%dma_start3A_41] : memref<2560xi32, #tpu.memory_space<vmem>> -> memref<128xi32, #tpu.memory_space<vmem>>
    %dma_start3A_43 = arith.constant 0 : i32
    %dma_start3A_44 = tpu.memref_slice %arg2[%dma_start3A_43] : memref<7280000xf32, #tpu.memory_space<hbm>> -> memref<7280000xf32, #tpu.memory_space<hbm>>
    tpu.enqueue_indirect_dma source(%dma_start3A_44 : memref<7280000xf32, #tpu.memory_space<hbm>>) target(%dma_start3A_40 : memref<128xf32, #tpu.memory_space<vmem>>) offsets(%dma_start3A_42 : memref<128xi32, #tpu.memory_space<vmem>>) semaphore(%arg13 : memref<!tpu.dma_semaphore, #tpu.memory_space<semaphore_mem>>)
    %dma_start3A_45 = arith.constant 640 : i32
    %dma_start3A_46 = tpu.memref_slice %arg10[%dma_start3A_45] : memref<2560xf32, #tpu.memory_space<vmem>> -> memref<128xf32, #tpu.memory_space<vmem>>
    %dma_start3A_47 = arith.constant 640 : i32
    %dma_start3A_48 = tpu.memref_slice %arg9[%dma_start3A_47] : memref<2560xi32, #tpu.memory_space<vmem>> -> memref<128xi32, #tpu.memory_space<vmem>>
    %dma_start3A_49 = arith.constant 0 : i32
    %dma_start3A_50 = tpu.memref_slice %arg2[%dma_start3A_49] : memref<7280000xf32, #tpu.memory_space<hbm>> -> memref<7280000xf32, #tpu.memory_space<hbm>>
    tpu.enqueue_indirect_dma source(%dma_start3A_50 : memref<7280000xf32, #tpu.memory_space<hbm>>) target(%dma_start3A_46 : memref<128xf32, #tpu.memory_space<vmem>>) offsets(%dma_start3A_48 : memref<128xi32, #tpu.memory_space<vmem>>) semaphore(%arg13 : memref<!tpu.dma_semaphore, #tpu.memory_space<semaphore_mem>>)
    %dma_start3A_51 = arith.constant 768 : i32
    %dma_start3A_52 = tpu.memref_slice %arg10[%dma_start3A_51] : memref<2560xf32, #tpu.memory_space<vmem>> -> memref<128xf32, #tpu.memory_space<vmem>>
    %dma_start3A_53 = arith.constant 768 : i32
    %dma_start3A_54 = tpu.memref_slice %arg9[%dma_start3A_53] : memref<2560xi32, #tpu.memory_space<vmem>> -> memref<128xi32, #tpu.memory_space<vmem>>
    %dma_start3A_55 = arith.constant 0 : i32
    %dma_start3A_56 = tpu.memref_slice %arg2[%dma_start3A_55] : memref<7280000xf32, #tpu.memory_space<hbm>> -> memref<7280000xf32, #tpu.memory_space<hbm>>
    tpu.enqueue_indirect_dma source(%dma_start3A_56 : memref<7280000xf32, #tpu.memory_space<hbm>>) target(%dma_start3A_52 : memref<128xf32, #tpu.memory_space<vmem>>) offsets(%dma_start3A_54 : memref<128xi32, #tpu.memory_space<vmem>>) semaphore(%arg13 : memref<!tpu.dma_semaphore, #tpu.memory_space<semaphore_mem>>)
    %dma_start3A_57 = arith.constant 896 : i32
    %dma_start3A_58 = tpu.memref_slice %arg10[%dma_start3A_57] : memref<2560xf32, #tpu.memory_space<vmem>> -> memref<128xf32, #tpu.memory_space<vmem>>
    %dma_start3A_59 = arith.constant 896 : i32
    %dma_start3A_60 = tpu.memref_slice %arg9[%dma_start3A_59] : memref<2560xi32, #tpu.memory_space<vmem>> -> memref<128xi32, #tpu.memory_space<vmem>>
    %dma_start3A_61 = arith.constant 0 : i32
    %dma_start3A_62 = tpu.memref_slice %arg2[%dma_start3A_61] : memref<7280000xf32, #tpu.memory_space<hbm>> -> memref<7280000xf32, #tpu.memory_space<hbm>>
    tpu.enqueue_indirect_dma source(%dma_start3A_62 : memref<7280000xf32, #tpu.memory_space<hbm>>) target(%dma_start3A_58 : memref<128xf32, #tpu.memory_space<vmem>>) offsets(%dma_start3A_60 : memref<128xi32, #tpu.memory_space<vmem>>) semaphore(%arg13 : memref<!tpu.dma_semaphore, #tpu.memory_space<semaphore_mem>>)
    %dma_start3A_63 = arith.constant 1024 : i32
    %dma_start3A_64 = tpu.memref_slice %arg10[%dma_start3A_63] : memref<2560xf32, #tpu.memory_space<vmem>> -> memref<128xf32, #tpu.memory_space<vmem>>
    %dma_start3A_65 = arith.constant 1024 : i32
    %dma_start3A_66 = tpu.memref_slice %arg9[%dma_start3A_65] : memref<2560xi32, #tpu.memory_space<vmem>> -> memref<128xi32, #tpu.memory_space<vmem>>
    %dma_start3A_67 = arith.constant 0 : i32
    %dma_start3A_68 = tpu.memref_slice %arg2[%dma_start3A_67] : memref<7280000xf32, #tpu.memory_space<hbm>> -> memref<7280000xf32, #tpu.memory_space<hbm>>
    tpu.enqueue_indirect_dma source(%dma_start3A_68 : memref<7280000xf32, #tpu.memory_space<hbm>>) target(%dma_start3A_64 : memref<128xf32, #tpu.memory_space<vmem>>) offsets(%dma_start3A_66 : memref<128xi32, #tpu.memory_space<vmem>>) semaphore(%arg13 : memref<!tpu.dma_semaphore, #tpu.memory_space<semaphore_mem>>)
    %dma_start3A_69 = arith.constant 1152 : i32
    %dma_start3A_70 = tpu.memref_slice %arg10[%dma_start3A_69] : memref<2560xf32, #tpu.memory_space<vmem>> -> memref<128xf32, #tpu.memory_space<vmem>>
    %dma_start3A_71 = arith.constant 1152 : i32
    %dma_start3A_72 = tpu.memref_slice %arg9[%dma_start3A_71] : memref<2560xi32, #tpu.memory_space<vmem>> -> memref<128xi32, #tpu.memory_space<vmem>>
    %dma_start3A_73 = arith.constant 0 : i32
    %dma_start3A_74 = tpu.memref_slice %arg2[%dma_start3A_73] : memref<7280000xf32, #tpu.memory_space<hbm>> -> memref<7280000xf32, #tpu.memory_space<hbm>>
    tpu.enqueue_indirect_dma source(%dma_start3A_74 : memref<7280000xf32, #tpu.memory_space<hbm>>) target(%dma_start3A_70 : memref<128xf32, #tpu.memory_space<vmem>>) offsets(%dma_start3A_72 : memref<128xi32, #tpu.memory_space<vmem>>) semaphore(%arg13 : memref<!tpu.dma_semaphore, #tpu.memory_space<semaphore_mem>>)
    %dma_start3A_75 = arith.constant 1280 : i32
    %dma_start3A_76 = tpu.memref_slice %arg10[%dma_start3A_75] : memref<2560xf32, #tpu.memory_space<vmem>> -> memref<128xf32, #tpu.memory_space<vmem>>
    %dma_start3A_77 = arith.constant 1280 : i32
    %dma_start3A_78 = tpu.memref_slice %arg9[%dma_start3A_77] : memref<2560xi32, #tpu.memory_space<vmem>> -> memref<128xi32, #tpu.memory_space<vmem>>
    %dma_start3A_79 = arith.constant 0 : i32
    %dma_start3A_80 = tpu.memref_slice %arg2[%dma_start3A_79] : memref<7280000xf32, #tpu.memory_space<hbm>> -> memref<7280000xf32, #tpu.memory_space<hbm>>
    tpu.enqueue_indirect_dma source(%dma_start3A_80 : memref<7280000xf32, #tpu.memory_space<hbm>>) target(%dma_start3A_76 : memref<128xf32, #tpu.memory_space<vmem>>) offsets(%dma_start3A_78 : memref<128xi32, #tpu.memory_space<vmem>>) semaphore(%arg13 : memref<!tpu.dma_semaphore, #tpu.memory_space<semaphore_mem>>)
    %dma_start3A_81 = arith.constant 1408 : i32
    %dma_start3A_82 = tpu.memref_slice %arg10[%dma_start3A_81] : memref<2560xf32, #tpu.memory_space<vmem>> -> memref<128xf32, #tpu.memory_space<vmem>>
    %dma_start3A_83 = arith.constant 1408 : i32
    %dma_start3A_84 = tpu.memref_slice %arg9[%dma_start3A_83] : memref<2560xi32, #tpu.memory_space<vmem>> -> memref<128xi32, #tpu.memory_space<vmem>>
    %dma_start3A_85 = arith.constant 0 : i32
    %dma_start3A_86 = tpu.memref_slice %arg2[%dma_start3A_85] : memref<7280000xf32, #tpu.memory_space<hbm>> -> memref<7280000xf32, #tpu.memory_space<hbm>>
    tpu.enqueue_indirect_dma source(%dma_start3A_86 : memref<7280000xf32, #tpu.memory_space<hbm>>) target(%dma_start3A_82 : memref<128xf32, #tpu.memory_space<vmem>>) offsets(%dma_start3A_84 : memref<128xi32, #tpu.memory_space<vmem>>) semaphore(%arg13 : memref<!tpu.dma_semaphore, #tpu.memory_space<semaphore_mem>>)
    %dma_start3A_87 = arith.constant 1536 : i32
    %dma_start3A_88 = tpu.memref_slice %arg10[%dma_start3A_87] : memref<2560xf32, #tpu.memory_space<vmem>> -> memref<128xf32, #tpu.memory_space<vmem>>
    %dma_start3A_89 = arith.constant 1536 : i32
    %dma_start3A_90 = tpu.memref_slice %arg9[%dma_start3A_89] : memref<2560xi32, #tpu.memory_space<vmem>> -> memref<128xi32, #tpu.memory_space<vmem>>
    %dma_start3A_91 = arith.constant 0 : i32
    %dma_start3A_92 = tpu.memref_slice %arg2[%dma_start3A_91] : memref<7280000xf32, #tpu.memory_space<hbm>> -> memref<7280000xf32, #tpu.memory_space<hbm>>
    tpu.enqueue_indirect_dma source(%dma_start3A_92 : memref<7280000xf32, #tpu.memory_space<hbm>>) target(%dma_start3A_88 : memref<128xf32, #tpu.memory_space<vmem>>) offsets(%dma_start3A_90 : memref<128xi32, #tpu.memory_space<vmem>>) semaphore(%arg13 : memref<!tpu.dma_semaphore, #tpu.memory_space<semaphore_mem>>)
    %dma_start3A_93 = arith.constant 1664 : i32
    %dma_start3A_94 = tpu.memref_slice %arg10[%dma_start3A_93] : memref<2560xf32, #tpu.memory_space<vmem>> -> memref<128xf32, #tpu.memory_space<vmem>>
    %dma_start3A_95 = arith.constant 1664 : i32
    %dma_start3A_96 = tpu.memref_slice %arg9[%dma_start3A_95] : memref<2560xi32, #tpu.memory_space<vmem>> -> memref<128xi32, #tpu.memory_space<vmem>>
    %dma_start3A_97 = arith.constant 0 : i32
    %dma_start3A_98 = tpu.memref_slice %arg2[%dma_start3A_97] : memref<7280000xf32, #tpu.memory_space<hbm>> -> memref<7280000xf32, #tpu.memory_space<hbm>>
    tpu.enqueue_indirect_dma source(%dma_start3A_98 : memref<7280000xf32, #tpu.memory_space<hbm>>) target(%dma_start3A_94 : memref<128xf32, #tpu.memory_space<vmem>>) offsets(%dma_start3A_96 : memref<128xi32, #tpu.memory_space<vmem>>) semaphore(%arg13 : memref<!tpu.dma_semaphore, #tpu.memory_space<semaphore_mem>>)
    %dma_start3A_99 = arith.constant 1792 : i32
    %dma_start3A_100 = tpu.memref_slice %arg10[%dma_start3A_99] : memref<2560xf32, #tpu.memory_space<vmem>> -> memref<128xf32, #tpu.memory_space<vmem>>
    %dma_start3A_101 = arith.constant 1792 : i32
    %dma_start3A_102 = tpu.memref_slice %arg9[%dma_start3A_101] : memref<2560xi32, #tpu.memory_space<vmem>> -> memref<128xi32, #tpu.memory_space<vmem>>
    %dma_start3A_103 = arith.constant 0 : i32
    %dma_start3A_104 = tpu.memref_slice %arg2[%dma_start3A_103] : memref<7280000xf32, #tpu.memory_space<hbm>> -> memref<7280000xf32, #tpu.memory_space<hbm>>
    tpu.enqueue_indirect_dma source(%dma_start3A_104 : memref<7280000xf32, #tpu.memory_space<hbm>>) target(%dma_start3A_100 : memref<128xf32, #tpu.memory_space<vmem>>) offsets(%dma_start3A_102 : memref<128xi32, #tpu.memory_space<vmem>>) semaphore(%arg13 : memref<!tpu.dma_semaphore, #tpu.memory_space<semaphore_mem>>)
    %dma_start3A_105 = arith.constant 1920 : i32
    %dma_start3A_106 = tpu.memref_slice %arg10[%dma_start3A_105] : memref<2560xf32, #tpu.memory_space<vmem>> -> memref<128xf32, #tpu.memory_space<vmem>>
    %dma_start3A_107 = arith.constant 1920 : i32
    %dma_start3A_108 = tpu.memref_slice %arg9[%dma_start3A_107] : memref<2560xi32, #tpu.memory_space<vmem>> -> memref<128xi32, #tpu.memory_space<vmem>>
    %dma_start3A_109 = arith.constant 0 : i32
    %dma_start3A_110 = tpu.memref_slice %arg2[%dma_start3A_109] : memref<7280000xf32, #tpu.memory_space<hbm>> -> memref<7280000xf32, #tpu.memory_space<hbm>>
    tpu.enqueue_indirect_dma source(%dma_start3A_110 : memref<7280000xf32, #tpu.memory_space<hbm>>) target(%dma_start3A_106 : memref<128xf32, #tpu.memory_space<vmem>>) offsets(%dma_start3A_108 : memref<128xi32, #tpu.memory_space<vmem>>) semaphore(%arg13 : memref<!tpu.dma_semaphore, #tpu.memory_space<semaphore_mem>>)
    %dma_start3A_111 = arith.constant 2048 : i32
    %dma_start3A_112 = tpu.memref_slice %arg10[%dma_start3A_111] : memref<2560xf32, #tpu.memory_space<vmem>> -> memref<128xf32, #tpu.memory_space<vmem>>
    %dma_start3A_113 = arith.constant 2048 : i32
    %dma_start3A_114 = tpu.memref_slice %arg9[%dma_start3A_113] : memref<2560xi32, #tpu.memory_space<vmem>> -> memref<128xi32, #tpu.memory_space<vmem>>
    %dma_start3A_115 = arith.constant 0 : i32
    %dma_start3A_116 = tpu.memref_slice %arg2[%dma_start3A_115] : memref<7280000xf32, #tpu.memory_space<hbm>> -> memref<7280000xf32, #tpu.memory_space<hbm>>
    tpu.enqueue_indirect_dma source(%dma_start3A_116 : memref<7280000xf32, #tpu.memory_space<hbm>>) target(%dma_start3A_112 : memref<128xf32, #tpu.memory_space<vmem>>) offsets(%dma_start3A_114 : memref<128xi32, #tpu.memory_space<vmem>>) semaphore(%arg13 : memref<!tpu.dma_semaphore, #tpu.memory_space<semaphore_mem>>)
    %dma_start3A_117 = arith.constant 2176 : i32
    %dma_start3A_118 = tpu.memref_slice %arg10[%dma_start3A_117] : memref<2560xf32, #tpu.memory_space<vmem>> -> memref<128xf32, #tpu.memory_space<vmem>>
    %dma_start3A_119 = arith.constant 2176 : i32
    %dma_start3A_120 = tpu.memref_slice %arg9[%dma_start3A_119] : memref<2560xi32, #tpu.memory_space<vmem>> -> memref<128xi32, #tpu.memory_space<vmem>>
    %dma_start3A_121 = arith.constant 0 : i32
    %dma_start3A_122 = tpu.memref_slice %arg2[%dma_start3A_121] : memref<7280000xf32, #tpu.memory_space<hbm>> -> memref<7280000xf32, #tpu.memory_space<hbm>>
    tpu.enqueue_indirect_dma source(%dma_start3A_122 : memref<7280000xf32, #tpu.memory_space<hbm>>) target(%dma_start3A_118 : memref<128xf32, #tpu.memory_space<vmem>>) offsets(%dma_start3A_120 : memref<128xi32, #tpu.memory_space<vmem>>) semaphore(%arg13 : memref<!tpu.dma_semaphore, #tpu.memory_space<semaphore_mem>>)
    %dma_start3A_123 = arith.constant 2304 : i32
    %dma_start3A_124 = tpu.memref_slice %arg10[%dma_start3A_123] : memref<2560xf32, #tpu.memory_space<vmem>> -> memref<128xf32, #tpu.memory_space<vmem>>
    %dma_start3A_125 = arith.constant 2304 : i32
    %dma_start3A_126 = tpu.memref_slice %arg9[%dma_start3A_125] : memref<2560xi32, #tpu.memory_space<vmem>> -> memref<128xi32, #tpu.memory_space<vmem>>
    %dma_start3A_127 = arith.constant 0 : i32
    %dma_start3A_128 = tpu.memref_slice %arg2[%dma_start3A_127] : memref<7280000xf32, #tpu.memory_space<hbm>> -> memref<7280000xf32, #tpu.memory_space<hbm>>
    tpu.enqueue_indirect_dma source(%dma_start3A_128 : memref<7280000xf32, #tpu.memory_space<hbm>>) target(%dma_start3A_124 : memref<128xf32, #tpu.memory_space<vmem>>) offsets(%dma_start3A_126 : memref<128xi32, #tpu.memory_space<vmem>>) semaphore(%arg13 : memref<!tpu.dma_semaphore, #tpu.memory_space<semaphore_mem>>)
    %dma_start3A_129 = arith.constant 2432 : i32
    %dma_start3A_130 = tpu.memref_slice %arg10[%dma_start3A_129] : memref<2560xf32, #tpu.memory_space<vmem>> -> memref<128xf32, #tpu.memory_space<vmem>>
    %dma_start3A_131 = arith.constant 2432 : i32
    %dma_start3A_132 = tpu.memref_slice %arg9[%dma_start3A_131] : memref<2560xi32, #tpu.memory_space<vmem>> -> memref<128xi32, #tpu.memory_space<vmem>>
    %dma_start3A_133 = arith.constant 0 : i32
    %dma_start3A_134 = tpu.memref_slice %arg2[%dma_start3A_133] : memref<7280000xf32, #tpu.memory_space<hbm>> -> memref<7280000xf32, #tpu.memory_space<hbm>>
    tpu.enqueue_indirect_dma source(%dma_start3A_134 : memref<7280000xf32, #tpu.memory_space<hbm>>) target(%dma_start3A_130 : memref<128xf32, #tpu.memory_space<vmem>>) offsets(%dma_start3A_132 : memref<128xi32, #tpu.memory_space<vmem>>) semaphore(%arg13 : memref<!tpu.dma_semaphore, #tpu.memory_space<semaphore_mem>>)
    %dma_wait3A = arith.constant 0 : i32
    %dma_wait3A_135 = tpu.memref_slice %arg10[%dma_wait3A] : memref<2560xf32, #tpu.memory_space<vmem>> -> memref<128xf32, #tpu.memory_space<vmem>>
    %dma_wait3A_136 = arith.constant 0 : i32
    %dma_wait3A_137 = tpu.memref_slice %arg9[%dma_wait3A_136] : memref<2560xi32, #tpu.memory_space<vmem>> -> memref<128xi32, #tpu.memory_space<vmem>>
    %dma_wait3A_138 = arith.constant 0 : i32
    %dma_wait3A_139 = tpu.memref_slice %arg2[%dma_wait3A_138] : memref<7280000xf32, #tpu.memory_space<hbm>> -> memref<7280000xf32, #tpu.memory_space<hbm>>
    tpu.wait_indirect_dma semaphore(%arg13 : memref<!tpu.dma_semaphore, #tpu.memory_space<semaphore_mem>>) src(%dma_wait3A_139 : memref<7280000xf32, #tpu.memory_space<hbm>>) dst(%dma_wait3A_135 : memref<128xf32, #tpu.memory_space<vmem>>)
    %dma_wait3A_140 = arith.constant 128 : i32
    %dma_wait3A_141 = tpu.memref_slice %arg10[%dma_wait3A_140] : memref<2560xf32, #tpu.memory_space<vmem>> -> memref<128xf32, #tpu.memory_space<vmem>>
    %dma_wait3A_142 = arith.constant 128 : i32
    %dma_wait3A_143 = tpu.memref_slice %arg9[%dma_wait3A_142] : memref<2560xi32, #tpu.memory_space<vmem>> -> memref<128xi32, #tpu.memory_space<vmem>>
    %dma_wait3A_144 = arith.constant 0 : i32
    %dma_wait3A_145 = tpu.memref_slice %arg2[%dma_wait3A_144] : memref<7280000xf32, #tpu.memory_space<hbm>> -> memref<7280000xf32, #tpu.memory_space<hbm>>
    tpu.wait_indirect_dma semaphore(%arg13 : memref<!tpu.dma_semaphore, #tpu.memory_space<semaphore_mem>>) src(%dma_wait3A_145 : memref<7280000xf32, #tpu.memory_space<hbm>>) dst(%dma_wait3A_141 : memref<128xf32, #tpu.memory_space<vmem>>)
    %dma_wait3A_146 = arith.constant 256 : i32
    %dma_wait3A_147 = tpu.memref_slice %arg10[%dma_wait3A_146] : memref<2560xf32, #tpu.memory_space<vmem>> -> memref<128xf32, #tpu.memory_space<vmem>>
    %dma_wait3A_148 = arith.constant 256 : i32
    %dma_wait3A_149 = tpu.memref_slice %arg9[%dma_wait3A_148] : memref<2560xi32, #tpu.memory_space<vmem>> -> memref<128xi32, #tpu.memory_space<vmem>>
    %dma_wait3A_150 = arith.constant 0 : i32
    %dma_wait3A_151 = tpu.memref_slice %arg2[%dma_wait3A_150] : memref<7280000xf32, #tpu.memory_space<hbm>> -> memref<7280000xf32, #tpu.memory_space<hbm>>
    tpu.wait_indirect_dma semaphore(%arg13 : memref<!tpu.dma_semaphore, #tpu.memory_space<semaphore_mem>>) src(%dma_wait3A_151 : memref<7280000xf32, #tpu.memory_space<hbm>>) dst(%dma_wait3A_147 : memref<128xf32, #tpu.memory_space<vmem>>)
    %dma_wait3A_152 = arith.constant 384 : i32
    %dma_wait3A_153 = tpu.memref_slice %arg10[%dma_wait3A_152] : memref<2560xf32, #tpu.memory_space<vmem>> -> memref<128xf32, #tpu.memory_space<vmem>>
    %dma_wait3A_154 = arith.constant 384 : i32
    %dma_wait3A_155 = tpu.memref_slice %arg9[%dma_wait3A_154] : memref<2560xi32, #tpu.memory_space<vmem>> -> memref<128xi32, #tpu.memory_space<vmem>>
    %dma_wait3A_156 = arith.constant 0 : i32
    %dma_wait3A_157 = tpu.memref_slice %arg2[%dma_wait3A_156] : memref<7280000xf32, #tpu.memory_space<hbm>> -> memref<7280000xf32, #tpu.memory_space<hbm>>
    tpu.wait_indirect_dma semaphore(%arg13 : memref<!tpu.dma_semaphore, #tpu.memory_space<semaphore_mem>>) src(%dma_wait3A_157 : memref<7280000xf32, #tpu.memory_space<hbm>>) dst(%dma_wait3A_153 : memref<128xf32, #tpu.memory_space<vmem>>)
    %dma_wait3A_158 = arith.constant 512 : i32
    %dma_wait3A_159 = tpu.memref_slice %arg10[%dma_wait3A_158] : memref<2560xf32, #tpu.memory_space<vmem>> -> memref<128xf32, #tpu.memory_space<vmem>>
    %dma_wait3A_160 = arith.constant 512 : i32
    %dma_wait3A_161 = tpu.memref_slice %arg9[%dma_wait3A_160] : memref<2560xi32, #tpu.memory_space<vmem>> -> memref<128xi32, #tpu.memory_space<vmem>>
    %dma_wait3A_162 = arith.constant 0 : i32
    %dma_wait3A_163 = tpu.memref_slice %arg2[%dma_wait3A_162] : memref<7280000xf32, #tpu.memory_space<hbm>> -> memref<7280000xf32, #tpu.memory_space<hbm>>
    tpu.wait_indirect_dma semaphore(%arg13 : memref<!tpu.dma_semaphore, #tpu.memory_space<semaphore_mem>>) src(%dma_wait3A_163 : memref<7280000xf32, #tpu.memory_space<hbm>>) dst(%dma_wait3A_159 : memref<128xf32, #tpu.memory_space<vmem>>)
    %dma_wait3A_164 = arith.constant 640 : i32
    %dma_wait3A_165 = tpu.memref_slice %arg10[%dma_wait3A_164] : memref<2560xf32, #tpu.memory_space<vmem>> -> memref<128xf32, #tpu.memory_space<vmem>>
    %dma_wait3A_166 = arith.constant 640 : i32
    %dma_wait3A_167 = tpu.memref_slice %arg9[%dma_wait3A_166] : memref<2560xi32, #tpu.memory_space<vmem>> -> memref<128xi32, #tpu.memory_space<vmem>>
    %dma_wait3A_168 = arith.constant 0 : i32
    %dma_wait3A_169 = tpu.memref_slice %arg2[%dma_wait3A_168] : memref<7280000xf32, #tpu.memory_space<hbm>> -> memref<7280000xf32, #tpu.memory_space<hbm>>
    tpu.wait_indirect_dma semaphore(%arg13 : memref<!tpu.dma_semaphore, #tpu.memory_space<semaphore_mem>>) src(%dma_wait3A_169 : memref<7280000xf32, #tpu.memory_space<hbm>>) dst(%dma_wait3A_165 : memref<128xf32, #tpu.memory_space<vmem>>)
    %dma_wait3A_170 = arith.constant 768 : i32
    %dma_wait3A_171 = tpu.memref_slice %arg10[%dma_wait3A_170] : memref<2560xf32, #tpu.memory_space<vmem>> -> memref<128xf32, #tpu.memory_space<vmem>>
    %dma_wait3A_172 = arith.constant 768 : i32
    %dma_wait3A_173 = tpu.memref_slice %arg9[%dma_wait3A_172] : memref<2560xi32, #tpu.memory_space<vmem>> -> memref<128xi32, #tpu.memory_space<vmem>>
    %dma_wait3A_174 = arith.constant 0 : i32
    %dma_wait3A_175 = tpu.memref_slice %arg2[%dma_wait3A_174] : memref<7280000xf32, #tpu.memory_space<hbm>> -> memref<7280000xf32, #tpu.memory_space<hbm>>
    tpu.wait_indirect_dma semaphore(%arg13 : memref<!tpu.dma_semaphore, #tpu.memory_space<semaphore_mem>>) src(%dma_wait3A_175 : memref<7280000xf32, #tpu.memory_space<hbm>>) dst(%dma_wait3A_171 : memref<128xf32, #tpu.memory_space<vmem>>)
    %dma_wait3A_176 = arith.constant 896 : i32
    %dma_wait3A_177 = tpu.memref_slice %arg10[%dma_wait3A_176] : memref<2560xf32, #tpu.memory_space<vmem>> -> memref<128xf32, #tpu.memory_space<vmem>>
    %dma_wait3A_178 = arith.constant 896 : i32
    %dma_wait3A_179 = tpu.memref_slice %arg9[%dma_wait3A_178] : memref<2560xi32, #tpu.memory_space<vmem>> -> memref<128xi32, #tpu.memory_space<vmem>>
    %dma_wait3A_180 = arith.constant 0 : i32
    %dma_wait3A_181 = tpu.memref_slice %arg2[%dma_wait3A_180] : memref<7280000xf32, #tpu.memory_space<hbm>> -> memref<7280000xf32, #tpu.memory_space<hbm>>
    tpu.wait_indirect_dma semaphore(%arg13 : memref<!tpu.dma_semaphore, #tpu.memory_space<semaphore_mem>>) src(%dma_wait3A_181 : memref<7280000xf32, #tpu.memory_space<hbm>>) dst(%dma_wait3A_177 : memref<128xf32, #tpu.memory_space<vmem>>)
    %dma_wait3A_182 = arith.constant 1024 : i32
    %dma_wait3A_183 = tpu.memref_slice %arg10[%dma_wait3A_182] : memref<2560xf32, #tpu.memory_space<vmem>> -> memref<128xf32, #tpu.memory_space<vmem>>
    %dma_wait3A_184 = arith.constant 1024 : i32
    %dma_wait3A_185 = tpu.memref_slice %arg9[%dma_wait3A_184] : memref<2560xi32, #tpu.memory_space<vmem>> -> memref<128xi32, #tpu.memory_space<vmem>>
    %dma_wait3A_186 = arith.constant 0 : i32
    %dma_wait3A_187 = tpu.memref_slice %arg2[%dma_wait3A_186] : memref<7280000xf32, #tpu.memory_space<hbm>> -> memref<7280000xf32, #tpu.memory_space<hbm>>
    tpu.wait_indirect_dma semaphore(%arg13 : memref<!tpu.dma_semaphore, #tpu.memory_space<semaphore_mem>>) src(%dma_wait3A_187 : memref<7280000xf32, #tpu.memory_space<hbm>>) dst(%dma_wait3A_183 : memref<128xf32, #tpu.memory_space<vmem>>)
    %dma_wait3A_188 = arith.constant 1152 : i32
    %dma_wait3A_189 = tpu.memref_slice %arg10[%dma_wait3A_188] : memref<2560xf32, #tpu.memory_space<vmem>> -> memref<128xf32, #tpu.memory_space<vmem>>
    %dma_wait3A_190 = arith.constant 1152 : i32
    %dma_wait3A_191 = tpu.memref_slice %arg9[%dma_wait3A_190] : memref<2560xi32, #tpu.memory_space<vmem>> -> memref<128xi32, #tpu.memory_space<vmem>>
    %dma_wait3A_192 = arith.constant 0 : i32
    %dma_wait3A_193 = tpu.memref_slice %arg2[%dma_wait3A_192] : memref<7280000xf32, #tpu.memory_space<hbm>> -> memref<7280000xf32, #tpu.memory_space<hbm>>
    tpu.wait_indirect_dma semaphore(%arg13 : memref<!tpu.dma_semaphore, #tpu.memory_space<semaphore_mem>>) src(%dma_wait3A_193 : memref<7280000xf32, #tpu.memory_space<hbm>>) dst(%dma_wait3A_189 : memref<128xf32, #tpu.memory_space<vmem>>)
    %dma_wait3A_194 = arith.constant 1280 : i32
    %dma_wait3A_195 = tpu.memref_slice %arg10[%dma_wait3A_194] : memref<2560xf32, #tpu.memory_space<vmem>> -> memref<128xf32, #tpu.memory_space<vmem>>
    %dma_wait3A_196 = arith.constant 1280 : i32
    %dma_wait3A_197 = tpu.memref_slice %arg9[%dma_wait3A_196] : memref<2560xi32, #tpu.memory_space<vmem>> -> memref<128xi32, #tpu.memory_space<vmem>>
    %dma_wait3A_198 = arith.constant 0 : i32
    %dma_wait3A_199 = tpu.memref_slice %arg2[%dma_wait3A_198] : memref<7280000xf32, #tpu.memory_space<hbm>> -> memref<7280000xf32, #tpu.memory_space<hbm>>
    tpu.wait_indirect_dma semaphore(%arg13 : memref<!tpu.dma_semaphore, #tpu.memory_space<semaphore_mem>>) src(%dma_wait3A_199 : memref<7280000xf32, #tpu.memory_space<hbm>>) dst(%dma_wait3A_195 : memref<128xf32, #tpu.memory_space<vmem>>)
    %dma_wait3A_200 = arith.constant 1408 : i32
    %dma_wait3A_201 = tpu.memref_slice %arg10[%dma_wait3A_200] : memref<2560xf32, #tpu.memory_space<vmem>> -> memref<128xf32, #tpu.memory_space<vmem>>
    %dma_wait3A_202 = arith.constant 1408 : i32
    %dma_wait3A_203 = tpu.memref_slice %arg9[%dma_wait3A_202] : memref<2560xi32, #tpu.memory_space<vmem>> -> memref<128xi32, #tpu.memory_space<vmem>>
    %dma_wait3A_204 = arith.constant 0 : i32
    %dma_wait3A_205 = tpu.memref_slice %arg2[%dma_wait3A_204] : memref<7280000xf32, #tpu.memory_space<hbm>> -> memref<7280000xf32, #tpu.memory_space<hbm>>
    tpu.wait_indirect_dma semaphore(%arg13 : memref<!tpu.dma_semaphore, #tpu.memory_space<semaphore_mem>>) src(%dma_wait3A_205 : memref<7280000xf32, #tpu.memory_space<hbm>>) dst(%dma_wait3A_201 : memref<128xf32, #tpu.memory_space<vmem>>)
    %dma_wait3A_206 = arith.constant 1536 : i32
    %dma_wait3A_207 = tpu.memref_slice %arg10[%dma_wait3A_206] : memref<2560xf32, #tpu.memory_space<vmem>> -> memref<128xf32, #tpu.memory_space<vmem>>
    %dma_wait3A_208 = arith.constant 1536 : i32
    %dma_wait3A_209 = tpu.memref_slice %arg9[%dma_wait3A_208] : memref<2560xi32, #tpu.memory_space<vmem>> -> memref<128xi32, #tpu.memory_space<vmem>>
    %dma_wait3A_210 = arith.constant 0 : i32
    %dma_wait3A_211 = tpu.memref_slice %arg2[%dma_wait3A_210] : memref<7280000xf32, #tpu.memory_space<hbm>> -> memref<7280000xf32, #tpu.memory_space<hbm>>
    tpu.wait_indirect_dma semaphore(%arg13 : memref<!tpu.dma_semaphore, #tpu.memory_space<semaphore_mem>>) src(%dma_wait3A_211 : memref<7280000xf32, #tpu.memory_space<hbm>>) dst(%dma_wait3A_207 : memref<128xf32, #tpu.memory_space<vmem>>)
    %dma_wait3A_212 = arith.constant 1664 : i32
    %dma_wait3A_213 = tpu.memref_slice %arg10[%dma_wait3A_212] : memref<2560xf32, #tpu.memory_space<vmem>> -> memref<128xf32, #tpu.memory_space<vmem>>
    %dma_wait3A_214 = arith.constant 1664 : i32
    %dma_wait3A_215 = tpu.memref_slice %arg9[%dma_wait3A_214] : memref<2560xi32, #tpu.memory_space<vmem>> -> memref<128xi32, #tpu.memory_space<vmem>>
    %dma_wait3A_216 = arith.constant 0 : i32
    %dma_wait3A_217 = tpu.memref_slice %arg2[%dma_wait3A_216] : memref<7280000xf32, #tpu.memory_space<hbm>> -> memref<7280000xf32, #tpu.memory_space<hbm>>
    tpu.wait_indirect_dma semaphore(%arg13 : memref<!tpu.dma_semaphore, #tpu.memory_space<semaphore_mem>>) src(%dma_wait3A_217 : memref<7280000xf32, #tpu.memory_space<hbm>>) dst(%dma_wait3A_213 : memref<128xf32, #tpu.memory_space<vmem>>)
    %dma_wait3A_218 = arith.constant 1792 : i32
    %dma_wait3A_219 = tpu.memref_slice %arg10[%dma_wait3A_218] : memref<2560xf32, #tpu.memory_space<vmem>> -> memref<128xf32, #tpu.memory_space<vmem>>
    %dma_wait3A_220 = arith.constant 1792 : i32
    %dma_wait3A_221 = tpu.memref_slice %arg9[%dma_wait3A_220] : memref<2560xi32, #tpu.memory_space<vmem>> -> memref<128xi32, #tpu.memory_space<vmem>>
    %dma_wait3A_222 = arith.constant 0 : i32
    %dma_wait3A_223 = tpu.memref_slice %arg2[%dma_wait3A_222] : memref<7280000xf32, #tpu.memory_space<hbm>> -> memref<7280000xf32, #tpu.memory_space<hbm>>
    tpu.wait_indirect_dma semaphore(%arg13 : memref<!tpu.dma_semaphore, #tpu.memory_space<semaphore_mem>>) src(%dma_wait3A_223 : memref<7280000xf32, #tpu.memory_space<hbm>>) dst(%dma_wait3A_219 : memref<128xf32, #tpu.memory_space<vmem>>)
    %dma_wait3A_224 = arith.constant 1920 : i32
    %dma_wait3A_225 = tpu.memref_slice %arg10[%dma_wait3A_224] : memref<2560xf32, #tpu.memory_space<vmem>> -> memref<128xf32, #tpu.memory_space<vmem>>
    %dma_wait3A_226 = arith.constant 1920 : i32
    %dma_wait3A_227 = tpu.memref_slice %arg9[%dma_wait3A_226] : memref<2560xi32, #tpu.memory_space<vmem>> -> memref<128xi32, #tpu.memory_space<vmem>>
    %dma_wait3A_228 = arith.constant 0 : i32
    %dma_wait3A_229 = tpu.memref_slice %arg2[%dma_wait3A_228] : memref<7280000xf32, #tpu.memory_space<hbm>> -> memref<7280000xf32, #tpu.memory_space<hbm>>
    tpu.wait_indirect_dma semaphore(%arg13 : memref<!tpu.dma_semaphore, #tpu.memory_space<semaphore_mem>>) src(%dma_wait3A_229 : memref<7280000xf32, #tpu.memory_space<hbm>>) dst(%dma_wait3A_225 : memref<128xf32, #tpu.memory_space<vmem>>)
    %dma_wait3A_230 = arith.constant 2048 : i32
    %dma_wait3A_231 = tpu.memref_slice %arg10[%dma_wait3A_230] : memref<2560xf32, #tpu.memory_space<vmem>> -> memref<128xf32, #tpu.memory_space<vmem>>
    %dma_wait3A_232 = arith.constant 2048 : i32
    %dma_wait3A_233 = tpu.memref_slice %arg9[%dma_wait3A_232] : memref<2560xi32, #tpu.memory_space<vmem>> -> memref<128xi32, #tpu.memory_space<vmem>>
    %dma_wait3A_234 = arith.constant 0 : i32
    %dma_wait3A_235 = tpu.memref_slice %arg2[%dma_wait3A_234] : memref<7280000xf32, #tpu.memory_space<hbm>> -> memref<7280000xf32, #tpu.memory_space<hbm>>
    tpu.wait_indirect_dma semaphore(%arg13 : memref<!tpu.dma_semaphore, #tpu.memory_space<semaphore_mem>>) src(%dma_wait3A_235 : memref<7280000xf32, #tpu.memory_space<hbm>>) dst(%dma_wait3A_231 : memref<128xf32, #tpu.memory_space<vmem>>)
    %dma_wait3A_236 = arith.constant 2176 : i32
    %dma_wait3A_237 = tpu.memref_slice %arg10[%dma_wait3A_236] : memref<2560xf32, #tpu.memory_space<vmem>> -> memref<128xf32, #tpu.memory_space<vmem>>
    %dma_wait3A_238 = arith.constant 2176 : i32
    %dma_wait3A_239 = tpu.memref_slice %arg9[%dma_wait3A_238] : memref<2560xi32, #tpu.memory_space<vmem>> -> memref<128xi32, #tpu.memory_space<vmem>>
    %dma_wait3A_240 = arith.constant 0 : i32
    %dma_wait3A_241 = tpu.memref_slice %arg2[%dma_wait3A_240] : memref<7280000xf32, #tpu.memory_space<hbm>> -> memref<7280000xf32, #tpu.memory_space<hbm>>
    tpu.wait_indirect_dma semaphore(%arg13 : memref<!tpu.dma_semaphore, #tpu.memory_space<semaphore_mem>>) src(%dma_wait3A_241 : memref<7280000xf32, #tpu.memory_space<hbm>>) dst(%dma_wait3A_237 : memref<128xf32, #tpu.memory_space<vmem>>)
    %dma_wait3A_242 = arith.constant 2304 : i32
    %dma_wait3A_243 = tpu.memref_slice %arg10[%dma_wait3A_242] : memref<2560xf32, #tpu.memory_space<vmem>> -> memref<128xf32, #tpu.memory_space<vmem>>
    %dma_wait3A_244 = arith.constant 2304 : i32
    %dma_wait3A_245 = tpu.memref_slice %arg9[%dma_wait3A_244] : memref<2560xi32, #tpu.memory_space<vmem>> -> memref<128xi32, #tpu.memory_space<vmem>>
    %dma_wait3A_246 = arith.constant 0 : i32
    %dma_wait3A_247 = tpu.memref_slice %arg2[%dma_wait3A_246] : memref<7280000xf32, #tpu.memory_space<hbm>> -> memref<7280000xf32, #tpu.memory_space<hbm>>
    tpu.wait_indirect_dma semaphore(%arg13 : memref<!tpu.dma_semaphore, #tpu.memory_space<semaphore_mem>>) src(%dma_wait3A_247 : memref<7280000xf32, #tpu.memory_space<hbm>>) dst(%dma_wait3A_243 : memref<128xf32, #tpu.memory_space<vmem>>)
    %dma_wait3A_248 = arith.constant 2432 : i32
    %dma_wait3A_249 = tpu.memref_slice %arg10[%dma_wait3A_248] : memref<2560xf32, #tpu.memory_space<vmem>> -> memref<128xf32, #tpu.memory_space<vmem>>
    %dma_wait3A_250 = arith.constant 2432 : i32
    %dma_wait3A_251 = tpu.memref_slice %arg9[%dma_wait3A_250] : memref<2560xi32, #tpu.memory_space<vmem>> -> memref<128xi32, #tpu.memory_space<vmem>>
    %dma_wait3A_252 = arith.constant 0 : i32
    %dma_wait3A_253 = tpu.memref_slice %arg2[%dma_wait3A_252] : memref<7280000xf32, #tpu.memory_space<hbm>> -> memref<7280000xf32, #tpu.memory_space<hbm>>
    tpu.wait_indirect_dma semaphore(%arg13 : memref<!tpu.dma_semaphore, #tpu.memory_space<semaphore_mem>>) src(%dma_wait3A_253 : memref<7280000xf32, #tpu.memory_space<hbm>>) dst(%dma_wait3A_249 : memref<128xf32, #tpu.memory_space<vmem>>)
    %broadcast_in_dim3A = arith.constant 0.000000e+00 : f32
    %broadcast_in_dim3A_254 = vector.broadcast %broadcast_in_dim3A : f32 to vector<16xf32>
    %scan3A_255 = arith.constant 0 : i32
    %scan3A_256 = arith.constant 40 : i32
    %scan3A_257 = arith.addi %scan3A_255, %scan3A_256 : i32
    %scan3A_258 = arith.constant 1 : i32
    %scan3A_259:2 = scf.for %scan3A_268 = %scan3A_255 to %scan3A_257 step %scan3A_258 iter_args(%scan3A_269 = %broadcast_in_dim3A_254, %scan3A_270 = %broadcast_in_dim3A_254) -> (vector<16xf32>, vector<16xf32>)  : i32 {
      %mul3A_271 = arith.constant 16 : i32
      %mul3A_272 = arith.muli %scan3A_268, %mul3A_271 : i32
      %get3A = arith.index_cast %mul3A_272 : i32 to index
      %get3A_273 = tpu.vector_load %arg7[%get3A] {strides = array<i32>} : memref<640xi32, #tpu.memory_space<vmem>>, vector<16xi32>,
      %get3A_274 = vector.shape_cast %get3A_273 : vector<16xi32> to vector<16xi32>
      %gt3A = arith.constant 0 : i32
      %gt3A_275 = vector.broadcast %gt3A : i32 to vector<16xi32>
      %gt3A_276 = arith.cmpi sgt, %get3A_274, %gt3A_275 : vector<16xi32>
      %jit3A = arith.constant 1.000000e+00 : f32
      %jit3A_277 = arith.constant 0.000000e+00 : f32
      %broadcast_in_dim3A_278 = vector.broadcast %jit3A : f32 to vector<16xf32>
      %broadcast_in_dim3A_279 = vector.broadcast %jit3A_277 : f32 to vector<16xf32>
      %select_n3A = arith.select %gt3A_276, %broadcast_in_dim3A_278, %broadcast_in_dim3A_279 : vector<16xi1>, vector<16xf32>
      %add3A_280 = arith.addf %scan3A_270, %select_n3A : vector<16xf32>
      %mul3A_281 = arith.constant 16 : i32
      %mul3A_282 = arith.muli %scan3A_268, %mul3A_281 : i32
      %add3A_283 = arith.constant 0 : i32
      %add3A_284 = arith.addi %add3A_283, %mul3A_282 : i32
      %get3A_285 = arith.index_cast %add3A_284 : i32 to index
      %get3A_286 = tpu.vector_load %arg10[%get3A_285] {strides = array<i32>} : memref<2560xf32, #tpu.memory_space<vmem>>, vector<16xf32>,
      %get3A_287 = vector.shape_cast %get3A_286 : vector<16xf32> to vector<16xf32>
      %mul3A_288 = arith.constant 16 : i32
      %mul3A_289 = arith.muli %scan3A_268, %mul3A_288 : i32
      %add3A_290 = arith.constant 0 : i32
      %add3A_291 = arith.addi %add3A_290, %mul3A_289 : i32
      %get3A_292 = arith.index_cast %add3A_291 : i32 to index
      %get3A_293 = tpu.vector_load %arg8[%get3A_292] {strides = array<i32>} : memref<2560xf32, #tpu.memory_space<vmem>>, vector<16xf32>,
      %get3A_294 = vector.shape_cast %get3A_293 : vector<16xf32> to vector<16xf32>
      %sub3A = arith.subf %get3A_287, %get3A_294 : vector<16xf32>
      %abs3A = math.absf %sub3A : vector<16xf32>
      %lt3A = arith.constant 1.000000e+00 : f32
      %lt3A_295 = vector.broadcast %lt3A : f32 to vector<16xf32>
      %lt3A_296 = arith.cmpf olt, %abs3A, %lt3A_295 : vector<16xf32>
      %mul3A_297 = arith.constant 5.000000e-01 : f32
      %mul3A_298 = vector.broadcast %mul3A_297 : f32 to vector<16xf32>
      %mul3A_299 = arith.mulf %mul3A_298, %sub3A : vector<16xf32>
      %mul3A_300 = arith.mulf %mul3A_299, %sub3A : vector<16xf32>
      %sub3A_301 = arith.constant 5.000000e-01 : f32
      %sub3A_302 = vector.broadcast %sub3A_301 : f32 to vector<16xf32>
      %sub3A_303 = arith.subf %abs3A, %sub3A_302 : vector<16xf32>
      %select_n3A_304 = arith.select %lt3A_296, %mul3A_300, %sub3A_303 : vector<16xi1>, vector<16xf32>
      %mul3A_305 = arith.mulf %select_n3A_304, %select_n3A : vector<16xf32>
      %add3A_306 = arith.addf %scan3A_269, %mul3A_305 : vector<16xf32>
      %mul3A_307 = arith.constant 16 : i32
      %mul3A_308 = arith.muli %scan3A_268, %mul3A_307 : i32
      %add3A_309 = arith.constant 640 : i32
      %add3A_310 = arith.addi %add3A_309, %mul3A_308 : i32
      %get3A_311 = arith.index_cast %add3A_310 : i32 to index
      %get3A_312 = tpu.vector_load %arg10[%get3A_311] {strides = array<i32>} : memref<2560xf32, #tpu.memory_space<vmem>>, vector<16xf32>,
      %get3A_313 = vector.shape_cast %get3A_312 : vector<16xf32> to vector<16xf32>
      %mul3A_314 = arith.constant 16 : i32
      %mul3A_315 = arith.muli %scan3A_268, %mul3A_314 : i32
      %add3A_316 = arith.constant 640 : i32
      %add3A_317 = arith.addi %add3A_316, %mul3A_315 : i32
      %get3A_318 = arith.index_cast %add3A_317 : i32 to index
      %get3A_319 = tpu.vector_load %arg8[%get3A_318] {strides = array<i32>} : memref<2560xf32, #tpu.memory_space<vmem>>, vector<16xf32>,
      %get3A_320 = vector.shape_cast %get3A_319 : vector<16xf32> to vector<16xf32>
      %sub3A_321 = arith.subf %get3A_313, %get3A_320 : vector<16xf32>
      %abs3A_322 = math.absf %sub3A_321 : vector<16xf32>
      %lt3A_323 = arith.constant 1.000000e+00 : f32
      %lt3A_324 = vector.broadcast %lt3A_323 : f32 to vector<16xf32>
      %lt3A_325 = arith.cmpf olt, %abs3A_322, %lt3A_324 : vector<16xf32>
      %mul3A_326 = arith.constant 5.000000e-01 : f32
      %mul3A_327 = vector.broadcast %mul3A_326 : f32 to vector<16xf32>
      %mul3A_328 = arith.mulf %mul3A_327, %sub3A_321 : vector<16xf32>
      %mul3A_329 = arith.mulf %mul3A_328, %sub3A_321 : vector<16xf32>
      %sub3A_330 = arith.constant 5.000000e-01 : f32
      %sub3A_331 = vector.broadcast %sub3A_330 : f32 to vector<16xf32>
      %sub3A_332 = arith.subf %abs3A_322, %sub3A_331 : vector<16xf32>
      %select_n3A_333 = arith.select %lt3A_325, %mul3A_329, %sub3A_332 : vector<16xi1>, vector<16xf32>
      %mul3A_334 = arith.mulf %select_n3A_333, %select_n3A : vector<16xf32>
      %add3A_335 = arith.addf %add3A_306, %mul3A_334 : vector<16xf32>
      %mul3A_336 = arith.constant 16 : i32
      %mul3A_337 = arith.muli %scan3A_268, %mul3A_336 : i32
      %add3A_338 = arith.constant 1280 : i32
      %add3A_339 = arith.addi %add3A_338, %mul3A_337 : i32
      %get3A_340 = arith.index_cast %add3A_339 : i32 to index
      %get3A_341 = tpu.vector_load %arg10[%get3A_340] {strides = array<i32>} : memref<2560xf32, #tpu.memory_space<vmem>>, vector<16xf32>,
      %get3A_342 = vector.shape_cast %get3A_341 : vector<16xf32> to vector<16xf32>
      %mul3A_343 = arith.constant 16 : i32
      %mul3A_344 = arith.muli %scan3A_268, %mul3A_343 : i32
      %add3A_345 = arith.constant 1280 : i32
      %add3A_346 = arith.addi %add3A_345, %mul3A_344 : i32
      %get3A_347 = arith.index_cast %add3A_346 : i32 to index
      %get3A_348 = tpu.vector_load %arg8[%get3A_347] {strides = array<i32>} : memref<2560xf32, #tpu.memory_space<vmem>>, vector<16xf32>,
      %get3A_349 = vector.shape_cast %get3A_348 : vector<16xf32> to vector<16xf32>
      %sub3A_350 = arith.subf %get3A_342, %get3A_349 : vector<16xf32>
      %abs3A_351 = math.absf %sub3A_350 : vector<16xf32>
      %lt3A_352 = arith.constant 1.000000e+00 : f32
      %lt3A_353 = vector.broadcast %lt3A_352 : f32 to vector<16xf32>
      %lt3A_354 = arith.cmpf olt, %abs3A_351, %lt3A_353 : vector<16xf32>
      %mul3A_355 = arith.constant 5.000000e-01 : f32
      %mul3A_356 = vector.broadcast %mul3A_355 : f32 to vector<16xf32>
      %mul3A_357 = arith.mulf %mul3A_356, %sub3A_350 : vector<16xf32>
      %mul3A_358 = arith.mulf %mul3A_357, %sub3A_350 : vector<16xf32>
      %sub3A_359 = arith.constant 5.000000e-01 : f32
      %sub3A_360 = vector.broadcast %sub3A_359 : f32 to vector<16xf32>
      %sub3A_361 = arith.subf %abs3A_351, %sub3A_360 : vector<16xf32>
      %select_n3A_362 = arith.select %lt3A_354, %mul3A_358, %sub3A_361 : vector<16xi1>, vector<16xf32>
      %mul3A_363 = arith.mulf %select_n3A_362, %select_n3A : vector<16xf32>
      %add3A_364 = arith.addf %add3A_335, %mul3A_363 : vector<16xf32>
      %mul3A_365 = arith.constant 16 : i32
      %mul3A_366 = arith.muli %scan3A_268, %mul3A_365 : i32
      %add3A_367 = arith.constant 1920 : i32
      %add3A_368 = arith.addi %add3A_367, %mul3A_366 : i32
      %get3A_369 = arith.index_cast %add3A_368 : i32 to index
      %get3A_370 = tpu.vector_load %arg10[%get3A_369] {strides = array<i32>} : memref<2560xf32, #tpu.memory_space<vmem>>, vector<16xf32>,
      %get3A_371 = vector.shape_cast %get3A_370 : vector<16xf32> to vector<16xf32>
      %mul3A_372 = arith.constant 16 : i32
      %mul3A_373 = arith.muli %scan3A_268, %mul3A_372 : i32
      %add3A_374 = arith.constant 1920 : i32
      %add3A_375 = arith.addi %add3A_374, %mul3A_373 : i32
      %get3A_376 = arith.index_cast %add3A_375 : i32 to index
      %get3A_377 = tpu.vector_load %arg8[%get3A_376] {strides = array<i32>} : memref<2560xf32, #tpu.memory_space<vmem>>, vector<16xf32>,
      %get3A_378 = vector.shape_cast %get3A_377 : vector<16xf32> to vector<16xf32>
      %sub3A_379 = arith.subf %get3A_371, %get3A_378 : vector<16xf32>
      %abs3A_380 = math.absf %sub3A_379 : vector<16xf32>
      %lt3A_381 = arith.constant 1.000000e+00 : f32
      %lt3A_382 = vector.broadcast %lt3A_381 : f32 to vector<16xf32>
      %lt3A_383 = arith.cmpf olt, %abs3A_380, %lt3A_382 : vector<16xf32>
      %mul3A_384 = arith.constant 5.000000e-01 : f32
      %mul3A_385 = vector.broadcast %mul3A_384 : f32 to vector<16xf32>
      %mul3A_386 = arith.mulf %mul3A_385, %sub3A_379 : vector<16xf32>
      %mul3A_387 = arith.mulf %mul3A_386, %sub3A_379 : vector<16xf32>
      %sub3A_388 = arith.constant 5.000000e-01 : f32
      %sub3A_389 = vector.broadcast %sub3A_388 : f32 to vector<16xf32>
      %sub3A_390 = arith.subf %abs3A_380, %sub3A_389 : vector<16xf32>
      %select_n3A_391 = arith.select %lt3A_383, %mul3A_387, %sub3A_390 : vector<16xi1>, vector<16xf32>
      %mul3A_392 = arith.mulf %select_n3A_391, %select_n3A : vector<16xf32>
      %add3A_393 = arith.addf %add3A_364, %mul3A_392 : vector<16xf32>
      scf.yield %add3A_393, %add3A_280 : vector<16xf32>, vector<16xf32>
    }
    %scan3A_260 = arith.constant 40 : i32
    %swap3A = arith.constant 0 : index
    %swap3A_261 = tpu.vector_load %arg11[%swap3A] {strides = array<i32>} : memref<16xf32, #tpu.memory_space<vmem>>, vector<16xf32>,
    %swap3A_262 = vector.shape_cast %swap3A_261 : vector<16xf32> to vector<16xf32>
    %swap3A_263 = vector.shape_cast %scan3A_259#0 : vector<16xf32> to vector<16xf32>
    tpu.vector_store %arg11[%swap3A], %swap3A_263 {strides = array<i32>} : memref<16xf32, #tpu.memory_space<vmem>>, vector<16xf32>,
    %swap3A_264 = arith.constant 0 : index
    %swap3A_265 = tpu.vector_load %arg12[%swap3A_264] {strides = array<i32>} : memref<16xf32, #tpu.memory_space<vmem>>, vector<16xf32>,
    %swap3A_266 = vector.shape_cast %swap3A_265 : vector<16xf32> to vector<16xf32>
    %swap3A_267 = vector.shape_cast %scan3A_259#1 : vector<16xf32> to vector<16xf32>
    tpu.vector_store %arg12[%swap3A_264], %swap3A_267 {strides = array<i32>} : memref<16xf32, #tpu.memory_space<vmem>>, vector<16xf32>,
    "tpu.region"() ({
      %run_scoped3A = tpu.sem_alloc : memref<!tpu.dma_semaphore, #tpu.memory_space<semaphore_mem>>
      %dma_start3A_268 = arith.constant 0 : i32
      %dma_start3A_269 = tpu.memref_slice %arg5[%add3A, %dma_start3A_268] : memref<32x16xf32, #tpu.memory_space<hbm>> -> memref<1x16xf32, #tpu.memory_space<hbm>>
      %dma_start3A_270 = tpu.memref_squeeze %dma_start3A_269 : memref<1x16xf32, #tpu.memory_space<hbm>> -> memref<16xf32, #tpu.memory_space<hbm>>
      %dma_start3A_271 = arith.constant 0 : i32
      %dma_start3A_272 = tpu.memref_slice %arg5[%add3A, %dma_start3A_271] : memref<32x16xf32, #tpu.memory_space<hbm>> -> memref<1x16xf32, #tpu.memory_space<hbm>>
      %dma_start3A_273 = tpu.memref_squeeze %dma_start3A_272 : memref<1x16xf32, #tpu.memory_space<hbm>> -> memref<16xf32, #tpu.memory_space<hbm>>
      tpu.enqueue_dma source(%arg11 : memref<16xf32, #tpu.memory_space<vmem>>) target(%dma_start3A_273 : memref<16xf32, #tpu.memory_space<hbm>>) target_semaphore(%run_scoped3A : memref<!tpu.dma_semaphore, #tpu.memory_space<semaphore_mem>>)
      %dma_wait3A_274 = arith.constant 0 : i32
      %dma_wait3A_275 = tpu.memref_slice %arg5[%add3A, %dma_wait3A_274] : memref<32x16xf32, #tpu.memory_space<hbm>> -> memref<1x16xf32, #tpu.memory_space<hbm>>
      %dma_wait3A_276 = tpu.memref_squeeze %dma_wait3A_275 : memref<1x16xf32, #tpu.memory_space<hbm>> -> memref<16xf32, #tpu.memory_space<hbm>>
      %dma_wait3A_277 = arith.constant 0 : i32
      %dma_wait3A_278 = tpu.memref_slice %arg5[%add3A, %dma_wait3A_277] : memref<32x16xf32, #tpu.memory_space<hbm>> -> memref<1x16xf32, #tpu.memory_space<hbm>>
      %dma_wait3A_279 = tpu.memref_squeeze %dma_wait3A_278 : memref<1x16xf32, #tpu.memory_space<hbm>> -> memref<16xf32, #tpu.memory_space<hbm>>
      tpu.wait_dma2 semaphore(%run_scoped3A : memref<!tpu.dma_semaphore, #tpu.memory_space<semaphore_mem>>) src(%arg11 : memref<16xf32, #tpu.memory_space<vmem>>) dst(%dma_wait3A_279 : memref<16xf32, #tpu.memory_space<hbm>>)
      tpu.yield
    }) : () -> ()
    "tpu.region"() ({
      %run_scoped3A = tpu.sem_alloc : memref<!tpu.dma_semaphore, #tpu.memory_space<semaphore_mem>>
      %dma_start3A_268 = arith.constant 0 : i32
      %dma_start3A_269 = tpu.memref_slice %arg6[%add3A, %dma_start3A_268] : memref<32x16xf32, #tpu.memory_space<hbm>> -> memref<1x16xf32, #tpu.memory_space<hbm>>
      %dma_start3A_270 = tpu.memref_squeeze %dma_start3A_269 : memref<1x16xf32, #tpu.memory_space<hbm>> -> memref<16xf32, #tpu.memory_space<hbm>>
      %dma_start3A_271 = arith.constant 0 : i32
      %dma_start3A_272 = tpu.memref_slice %arg6[%add3A, %dma_start3A_271] : memref<32x16xf32, #tpu.memory_space<hbm>> -> memref<1x16xf32, #tpu.memory_space<hbm>>
      %dma_start3A_273 = tpu.memref_squeeze %dma_start3A_272 : memref<1x16xf32, #tpu.memory_space<hbm>> -> memref<16xf32, #tpu.memory_space<hbm>>
      tpu.enqueue_dma source(%arg12 : memref<16xf32, #tpu.memory_space<vmem>>) target(%dma_start3A_273 : memref<16xf32, #tpu.memory_space<hbm>>) target_semaphore(%run_scoped3A : memref<!tpu.dma_semaphore, #tpu.memory_space<semaphore_mem>>)
      %dma_wait3A_274 = arith.constant 0 : i32
      %dma_wait3A_275 = tpu.memref_slice %arg6[%add3A, %dma_wait3A_274] : memref<32x16xf32, #tpu.memory_space<hbm>> -> memref<1x16xf32, #tpu.memory_space<hbm>>
      %dma_wait3A_276 = tpu.memref_squeeze %dma_wait3A_275 : memref<1x16xf32, #tpu.memory_space<hbm>> -> memref<16xf32, #tpu.memory_space<hbm>>
      %dma_wait3A_277 = arith.constant 0 : i32
      %dma_wait3A_278 = tpu.memref_slice %arg6[%add3A, %dma_wait3A_277] : memref<32x16xf32, #tpu.memory_space<hbm>> -> memref<1x16xf32, #tpu.memory_space<hbm>>
      %dma_wait3A_279 = tpu.memref_squeeze %dma_wait3A_278 : memref<1x16xf32, #tpu.memory_space<hbm>> -> memref<16xf32, #tpu.memory_space<hbm>>
      tpu.wait_dma2 semaphore(%run_scoped3A : memref<!tpu.dma_semaphore, #tpu.memory_space<semaphore_mem>>) src(%arg12 : memref<16xf32, #tpu.memory_space<vmem>>) dst(%dma_wait3A_279 : memref<16xf32, #tpu.memory_space<hbm>>)
      tpu.yield
    }) : () -> ()
    return
  }
}

module attributes {stable_mosaic.version = 14 : i64} {
  func.func @_ce_body(%arg0: i32, %arg1: memref<2000x91xf32, #tpu.memory_space<vmem>>, %arg2: memref<2000x1xi32, #tpu.memory_space<vmem>>, %arg3: memref<1x1xf32, #tpu.memory_space<vmem>>) attributes {dimension_semantics = [#tpu.dimension_semantics<arbitrary>], iteration_bounds = array<i64: 10>, scalar_prefetch = 0 : i64, scratch_operands = 0 : i64, tpu.core_type = #tpu.core_type<tc>, window_params = [{transform_indices = @transform_0, window_bounds = array<i64: 2000, 91>}, {transform_indices = @transform_1, window_bounds = array<i64: 2000, 1>}, {pipeline_mode = #tpu.pipeline_mode<synchronous>, transform_indices = @transform_2, window_bounds = array<i64: 1, 1>}]} {
    %eq3A = arith.constant 0 : i32
    %eq3A_0 = arith.cmpi eq, %arg0, %eq3A : i32
    %convert_element_type3A = arith.extui %eq3A_0 : i1 to i32
    %cond3A = arith.constant 0 : i32
    %cond3A_1 = arith.cmpi ne, %convert_element_type3A, %cond3A : i32
    scf.if %cond3A_1 {
      %broadcast_in_dim3A_30 = arith.constant 0.000000e+00 : f32
      %broadcast_in_dim3A_31 = vector.broadcast %broadcast_in_dim3A_30 : f32 to vector<1x1xf32>
      %swap3A_32 = arith.constant 0 : index
      %swap3A_33 = arith.constant 0 : index
      %swap3A_34 = vector.load %arg3[%swap3A_32, %swap3A_33] : memref<1x1xf32, #tpu.memory_space<vmem>>, vector<1x1xf32>
      tpu.vector_store %arg3[%swap3A_32, %swap3A_33], %broadcast_in_dim3A_31 {strides = array<i32>} : memref<1x1xf32, #tpu.memory_space<vmem>>, vector<1x1xf32>,
    } else {
    }
    %get3A = arith.constant 0 : index
    %get3A_2 = arith.constant 0 : index
    %get3A_3 = vector.load %arg1[%get3A, %get3A_2] : memref<2000x91xf32, #tpu.memory_space<vmem>>, vector<2000x91xf32>
    %get3A_4 = arith.constant 0 : index
    %get3A_5 = arith.constant 0 : index
    %get3A_6 = vector.load %arg2[%get3A_4, %get3A_5] : memref<2000x1xi32, #tpu.memory_space<vmem>>, vector<2000x1xi32>
    %reduce_max3A = arith.constant dense<0xFF800000> : vector<2000xf32>
    %reduce_max3A_7 = vector.multi_reduction <maximumf>, %get3A_3, %reduce_max3A [1] : vector<2000x91xf32> to vector<2000xf32>
    %broadcast_in_dim3A = vector.shape_cast %reduce_max3A_7 : vector<2000xf32> to vector<2000x1xf32>
    %sub3A = vector.broadcast %broadcast_in_dim3A : vector<2000x1xf32> to vector<2000x91xf32>
    %sub3A_8 = arith.subf %get3A_3, %sub3A : vector<2000x91xf32>
    %exp3A = math.exp %sub3A_8 : vector<2000x91xf32>
    %reduce_sum3A = arith.constant dense<0.000000e+00> : vector<2000xf32>
    %reduce_sum3A_9 = vector.multi_reduction <add>, %exp3A, %reduce_sum3A [1] : vector<2000x91xf32> to vector<2000xf32>
    %broadcast_in_dim3A_10 = vector.shape_cast %reduce_sum3A_9 : vector<2000xf32> to vector<2000x1xf32>
    %log3A = math.log %broadcast_in_dim3A_10 : vector<2000x1xf32>
    %add3A = arith.addf %log3A, %broadcast_in_dim3A : vector<2000x1xf32>
    %iota3A = tpu.iota {dimensions = array<i32: 1>} : vector<2000x91xi32>
    %eq3A_11 = vector.broadcast %get3A_6 : vector<2000x1xi32> to vector<2000x91xi32>
    %eq3A_12 = arith.cmpi eq, %iota3A, %eq3A_11 : vector<2000x91xi32>
    %jit3A = arith.constant 0.000000e+00 : f32
    %broadcast_in_dim3A_13 = vector.broadcast %jit3A : f32 to vector<2000x91xf32>
    %select_n3A = arith.select %eq3A_12, %get3A_3, %broadcast_in_dim3A_13 : vector<2000x91xi1>, vector<2000x91xf32>
    %reduce_sum3A_14 = arith.constant dense<0.000000e+00> : vector<2000xf32>
    %reduce_sum3A_15 = vector.multi_reduction <add>, %select_n3A, %reduce_sum3A_14 [1] : vector<2000x91xf32> to vector<2000xf32>
    %broadcast_in_dim3A_16 = vector.shape_cast %reduce_sum3A_15 : vector<2000xf32> to vector<2000x1xf32>
    %get3A_17 = arith.constant 0 : index
    %get3A_18 = arith.constant 0 : index
    %get3A_19 = vector.load %arg3[%get3A_17, %get3A_18] : memref<1x1xf32, #tpu.memory_space<vmem>>, vector<1x1xf32>
    %sub3A_20 = arith.subf %add3A, %broadcast_in_dim3A_16 : vector<2000x1xf32>
    %reduce_sum3A_21 = vector.shape_cast %sub3A_20 : vector<2000x1xf32> to vector<1x2000x1xf32>
    %reduce_sum3A_22 = arith.constant dense<0.000000e+00> : vector<1xf32>
    %reduce_sum3A_23 = vector.multi_reduction <add>, %reduce_sum3A_21, %reduce_sum3A_22 [1, 2] : vector<1x2000x1xf32> to vector<1xf32>
    %reduce_sum3A_24 = vector.shape_cast %reduce_sum3A_23 : vector<1xf32> to vector<1x1x1xf32>
    %reduce_sum3A_25 = vector.extract %reduce_sum3A_24[0, 0, 0] : f32 from vector<1x1x1xf32>
    %mul3A = arith.constant 5.000000e-05 : f32
    %mul3A_26 = arith.mulf %reduce_sum3A_25, %mul3A : f32
    %reshape3A = vector.broadcast %mul3A_26 : f32 to vector<1x1xf32>
    %add3A_27 = arith.addf %get3A_19, %reshape3A : vector<1x1xf32>
    %swap3A = arith.constant 0 : index
    %swap3A_28 = arith.constant 0 : index
    %swap3A_29 = vector.load %arg3[%swap3A, %swap3A_28] : memref<1x1xf32, #tpu.memory_space<vmem>>, vector<1x1xf32>
    tpu.vector_store %arg3[%swap3A, %swap3A_28], %add3A_27 {strides = array<i32>} : memref<1x1xf32, #tpu.memory_space<vmem>>, vector<1x1xf32>,
    return
  }
  func.func @transform_0(%arg0: i32) -> (i32, i32) {
    %c0_i32 = arith.constant 0 : i32
    %c0_i32_0 = arith.constant 0 : i32
    return %arg0, %c0_i32 : i32, i32
  }
  func.func @transform_1(%arg0: i32) -> (i32, i32) {
    %c0_i32 = arith.constant 0 : i32
    %c0_i32_0 = arith.constant 0 : i32
    return %arg0, %c0_i32 : i32, i32
  }
  func.func @transform_2(%arg0: i32) -> (i32, i32) {
    %c0_i32 = arith.constant 0 : i32
    %c0_i32_0 = arith.constant 0 : i32
    %c0_i32_1 = arith.constant 0 : i32
    return %c0_i32, %c0_i32_0 : i32, i32
  }
}

</mosaic_0001>

<sc_bundles>
// kernel: kernel.4.cloned.1.call-start
scs
__scs_entry_jumppad:
0x0: {  	(pc) =	sbr.rel $0x88, $3  }
0x1: {  	(tag) =	ssettag $0x0;
	lr =	simm.s32 $0x1  }
0x2: {  	[smem:$0x3F9D] =	sst lr;
	_ =	strace $0xD0000000  }
0x3: {  	_ = 	snop  }
0x4: {  	_ = 	snop  }
0x5: {  	_ = 	snop  }
0x6: {  	_ = 	snop  }
0x7: {  	_ = 	snop  }
__scs_overlays_trampoline_lowered:
0x8: {  	[smem:$0x3FAC] =	sst s0  }
0x9: {  	[smem:$0x3FAD] =	sst s1  }
0xa: {  	[smem:$0x3FAE] =	sst s2  }
0xb: {  	[smem:$0x3FAF] =	sst s3  }
0xc: {  	[smem:$0x3FB0] =	sst s4  }
0xd: {  	[smem:$0x3FB1] =	sst s5  }
0xe: {  	[smem:$0x3FB2] =	sst s6  }
0xf: {  	[smem:$0x3FB3] =	sst s7  }
0x10: {  	[smem:$0x3FB4] =	sst s8  }
0x11: {  	[smem:$0x3FB5] =	sst s9;
	s0 =	simm.s32 @!p0 $0x0  }
0x12: {  	s1 =	sld [smem:$0x3F9B];
	s0 =	simm.s32 @p0 $0x1  }
0x13: {  	[smem:$0x3FB6] =	sst s0;
	s0 =	simm.s32 @!p1 $0x0  }
0x14: {  	s2 =	sld [smem:$0x3F9A];
	s0 =	simm.s32 @p1 $0x1  }
0x15: {  	[smem:$0x3FB7] =	sst s0;
	s0 =	simm.s32 @!p2 $0x0  }
0x16: {  	s3 =	sld [smem:$0x3FDB];
	s0 =	simm.s32 @p2 $0x1  }
0x17: {  	s4 =	simm.s32 $0x1BF5;
	[smem:$0x3FB9] =	sst s0  }
0x18: {  	s0 =	sld [smem:$0x3F9C];
	_ =	swait.ge [sflag:s4], $0x0  }
0x19: {  	s7 =	sld [smem:$0x3F9D]  }
0x1a: {  	s8 =	sadd.s32 $0xFFFFE003, lr  }
0x1b: {  	s9 =	sadd.s32 $0xFFFFFEF7, lr;
	s5 =	simm.s32 $0xFFFFFFFF;
	p2 =	slt.u32 s8, $0xFFFFF086  }
0x1c: {  	p1 =	slt.u32 s9, $0xF7A;
	s5 =	simm.s32 @!p2 $0x0  }
0x1d: {  	s5 =	simm.s32 @p1 $0x1;
	p0 =	seq.s32 s7, s2  }
0x1e: {  	s7 =	smul.u32 @!p0 $0xF7A, s2;
	p2 =	seq.s32 @!p0 s5, $0x0  }
0x1f: {  	s9 =	smul.u32 $0xF7A, s1;
	s8 =	simm.s32 @!p0 $0x1BF5;
	p2 =	por !p2, p0  }
0x20: {  	[sflag:s8] =	ssyncset.s32 @!p0 $0xFFFFF086;
	s6 =	sadd.s32 @!p0 s3, s7;
	s7 =	simm.s32 @!p0 $0x108  }
0x21: {  	s3 =	sadd.s32 s3, s9;
	s6 =	sadd.s32 @!p0 $0x88, s6;
	s7 =	simm.s32 @p2 $0x1082  }
0x22: {  	[simem:s7], [sflag:s8] =	dma.local @!p0 [hbm:s6], $0xF7A  }
0x23: {  	s9 =	sor.u32 $0xD0000000, s2;
	s6 =	simm.s32 $0x108;
	_ =	swait.ge @!p0 [sflag:s8], $0x0  }
0x24: {  	s3 =	sadd.s32 $0x88, s3;
	s6 =	simm.s32 @!p1 $0x1082;
	[sflag:s4] =	ssyncset.s32 $0xFFFFF086  }
0x25: {  	[simem:s6], [sflag:s4] =	dma.local [hbm:s3], $0xF7A  }
0x26: {  	[smem:$0x3F9D] =	sst s1;
	(tag) =	ssettag s2;
	_ =	strace s9  }
0x27: {  	s1 =	sld [smem:$0x3FAD]  }
0x28: {  	s2 =	sld [smem:$0x3FAE]  }
0x29: {  	s4 =	sld [smem:$0x3FB0]  }
0x2a: {  	p0 =	seq.s32 s5, $0x0;
	s5 =	sld [smem:$0x3FB1]  }
0x2b: {  	s6 =	sld [smem:$0x3FB2]  }
0x2c: {  	s7 =	sld [smem:$0x3FB3]  }
0x2d: {  	s3 =	simm.s32 $0x108;
	s8 =	sld [smem:$0x3FB4]  }
0x2e: {  	s3 =	simm.s32 @!p0 $0x1082;
	s9 =	sld [smem:$0x3FB5]  }
0x2f: {  	lr =	sadd.s32 s0, s3;
	s0 =	sld [smem:$0x3FAC]  }
0x30: {  	s3 =	sld [smem:$0x3FAF]  }
0x31: {  	[smem:$0x3FB8] =	sst s10  }
0x32: {  	s10 =	sld [smem:$0x3FB6];
	_ =	sdelay $0x3  }
0x33: {  	p0 =	seq.s32 s10, $0x1;
	s10 =	sld [smem:$0x3FB8];
	_ =	sdelay $0x3  }
0x34: {  	[smem:$0x3FB8] =	sst s10  }
0x35: {  	s10 =	sld [smem:$0x3FB7];
	_ =	sdelay $0x3  }
0x36: {  	p1 =	seq.s32 s10, $0x1;
	s10 =	sld [smem:$0x3FB8];
	_ =	sdelay $0x3  }
0x37: {  	[smem:$0x3FB8] =	sst s10  }
0x38: {  	s10 =	sld [smem:$0x3FB9]  }
0x39: {  	_ = 	snop;
	(pc) =	sbr.ind lr, $3  }
0x3a: {  	_ = 	snop  }
0x3b: {  	_ = 	snop  }
0x3c: {  	p2 =	seq.s32 s10, $0x1;
	s10 =	sld [smem:$0x3FB8]  }
0x3d: {  	_ =	shalt  }
0x3e: {  	_ =	shalt  }
0x3f: {  	_ =	shalt  }
0x40: {  	_ =	shalt  }
0x41: {  	_ =	shalt  }
0x42: {  	_ =	shalt  }
0x43: {  	_ =	shalt  }
0x44: {  	_ =	shalt  }
0x45: {  	_ =	shalt  }
0x46: {  	_ =	shalt  }
0x47: {  	_ =	shalt  }
0x48: {  	_ =	shalt  }
0x49: {  	_ =	shalt  }
0x4a: {  	_ =	shalt  }
0x4b: {  	_ =	shalt  }
0x4c: {  	_ =	shalt  }
0x4d: {  	_ =	shalt  }
0x4e: {  	_ =	shalt  }
0x4f: {  	_ =	shalt  }
0x50: {  	_ =	shalt  }
0x51: {  	_ =	shalt  }
0x52: {  	_ =	shalt  }
0x53: {  	_ =	shalt  }
0x54: {  	_ =	shalt  }
0x55: {  	_ =	shalt  }
0x56: {  	_ =	shalt  }
0x57: {  	_ =	shalt  }
0x58: {  	_ =	shalt  }
0x59: {  	_ =	shalt  }
0x5a: {  	_ =	shalt  }
0x5b: {  	_ =	shalt  }
0x5c: {  	_ =	shalt  }
0x5d: {  	_ =	shalt  }
0x5e: {  	_ =	shalt  }
0x5f: {  	_ =	shalt  }
0x60: {  	_ =	shalt  }
0x61: {  	_ =	shalt  }
0x62: {  	_ =	shalt  }
0x63: {  	_ =	shalt  }
0x64: {  	_ =	shalt  }
0x65: {  	_ =	shalt  }
0x66: {  	_ =	shalt  }
0x67: {  	_ =	shalt  }
0x68: {  	_ =	shalt  }
0x69: {  	_ =	shalt  }
0x6a: {  	_ =	shalt  }
0x6b: {  	_ =	shalt  }
0x6c: {  	_ =	shalt  }
0x6d: {  	_ =	shalt  }
0x6e: {  	_ =	shalt  }
0x6f: {  	_ =	shalt  }
0x70: {  	_ =	shalt  }
0x71: {  	_ =	shalt  }
0x72: {  	_ =	shalt  }
0x73: {  	_ =	shalt  }
0x74: {  	_ =	shalt  }
0x75: {  	_ =	shalt  }
0x76: {  	_ =	shalt  }
0x77: {  	_ =	shalt  }
0x78: {  	_ =	shalt  }
0x79: {  	_ =	shalt  }
0x7a: {  	_ =	shalt  }
0x7b: {  	_ =	shalt  }
0x7c: {  	_ =	shalt  }
0x7d: {  	_ =	shalt  }
0x7e: {  	_ =	shalt  }
0x7f: {  	_ =	shalt  }
0x80: {  	_ =	shalt  }
0x81: {  	_ =	shalt  }
0x82: {  	_ =	shalt  }
0x83: {  	_ =	shalt  }
0x84: {  	_ =	shalt  }
0x85: {  	_ =	shalt  }
0x86: {  	_ =	shalt  }
0x87: {  	_ =	shalt  }
.Lfunc_end0:
.L_simem_size_0:
called_computation_lowered:
.L_overlay_start_0:
0x88: {  	s2 =	sld [smem:$0x3FD9]  }
0x89: {  	s3 =	sld [smem:$0x3FFE];
	_ =	sdelay $0x1  }
0x8a: {  	s1 =	srdreg.scid  }
0x8b: {  	s0 =	sand.u32 $0x1, s1  }
0x8c: {  	s16 =	sshll.u32 s0, $0xA;
	s2 =	sadd.s32 s3, s2  }
0x8d: {  	s2 =	sadd.s32 s2, s16  }
0x8e: {  	[smem:$0x3FC4] =	sst s2  }
0x8f: {  	_ = 	snop  }
0x90: {  	(tm) =	ssettm $0x1  }
0x91: {  	s17 =	sld [smem:$0x3FFB];
	_ =	sdelay $0x3  }
0x92: {  	_ =	strace s17  }
0x93: {  	s2 =	sld [smem:$0x3FFC];
	_ =	sdelay $0x3  }
0x94: {  	_ =	strace s2  }
0x95: {  	s2 =	sld [smem:$0x3FFD];
	_ =	sdelay $0x3  }
0x96: {  	_ =	strace s2  }
0x97: {  	_ =	strace $0x8FFFFFFF  }
0x98: {  	s18 =	sld [smem:$0x3FDB];
	_ =	sdelay $0x1  }
0x99: {  	s19 =	simm.s32 $_scs_section_size  }
0x9a: {  	s4 =	simm.s32 $_size__tile_overlayer_lowered;
	s5 =	simm.s32 $_tile_overlayer_lowered  }
0x9b: {  	s22 =	simm.s32 $0x1BFF;
	s21 =	sshll.u32 s5, $0x1;
	s2 =	sadd.s32 s19, s18  }
0x9c: {  	s6 =	simm.s32 $0x0;
	s20 =	sshll.u32 s4, $0x1;
	s4 =	sadd.s32 s21, s2  }
0x9d: {  	[timem:s6], [sflag:s22] =	dma.local [hbm:s4], s20  }
0x9e: {  	_ =	swait.ge [sflag:s22], s20  }
0x9f: {  	s3 =	ssub.s32 $0x0, s20;
	[sflag:s22] =	ssyncset.done $0x0  }
0xa0: {  	[sflag:s22] =	ssyncadd.s32 s3;
	_ =	sdelay $0x1  }
0xa1: {  	s23 =	simm.s32 $0x1B8B  }
0xa2: {  	_ =	swait.ge [sflag:s23], $0x1  }
0xa3: {  	[sflag:s23] =	ssyncset.done $0x0  }
0xa4: {  	s25 =	simm.s32 $0x1B8E;
	s24 =	sld [smem:$0x3FFE];
	[sflag:s23] =	ssyncadd.s32 $0xFFFFFFFF  }
0xa5: {  	s26 =	simm.s32 $execute0_lowered;
	[smem:$0x3FD2] =	sst s25  }
0xa6: {  	s4 =	sshll.u32 s26, $0x1;
	_ =	strace $0x80000046;
	[dreg:$0x1] =	wrdreg $0xFFFFFFFF  }
0xa7: {  	s28 =	simm.s32 $_size_execute0_lowered;
	s2 =	sadd.s32 s2, s4;
	[dreg:$0x0] =	wrdreg $0x0  }
0xa8: {  	s4 =	sshll.u32 s28, $0x1;
	[dreg:$0x2] =	wrdreg s2  }
0xa9: {  	[dreg:$0x3] =	wrdreg s4  }
0xaa: {  	[dreg:$0x4] =	wrdreg $0xC0  }
0xab: {  	_ =	task [dreg:s6], $0x5FFFF  }
0xac: {  	[dreg:$0x1] =	wrdreg $0xFFFFFFFF  }
0xad: {  	[dreg:$0x0] =	wrdreg $0x60  }
0xae: {  	[dreg:$0x2] =	wrdreg s24  }
0xaf: {  	[dreg:$0x3] =	wrdreg $0x9  }
0xb0: {  	_ =	task.clear_ibuf [dreg:s6], $0x4FFFF;
	_ =	strace $0x90000046  }
0xb1: {  	s29 =	simm.s32 $0x9;
	_ =	strace $0x80000048  }
0xb2: {  	_ =	swait.ge [sflag:s29], $0x1  }
0xb3: {  	[sflag:s29] =	ssyncadd.s32 $0xFFFFFFFF  }
0xb4: {  	_ =	strace $0x90000048  }
0xb5: {  	_ =	sfence  }
0xb6: {  	s30 =	sld [smem:$0x0];
	_ =	sdelay $0x2  }
0xb7: {  	s31 =	sshll.u32 s1, $0xD;
	s1 =	sshrl.u32 s1, $0x2  }
0xb8: {  	s3 =	sand.u32 $0x4000, s31;
	s1 =	sadd.s32 s1, s30  }
0xb9: {  	s0 =	sor.u32 s3, s0;
	s1 =	sshll.u32 s1, $0x11  }
0xba: {  	s0 =	sor.u32 s1, s0  }
0xbb: {  	s0 =	sadd.s32 $0x8F2B, s0  }
0xbc: {  	[sflag:s0] =	ssyncadd.remote.s32 $0x1  }
0xbd: {  	_ =	sfence.sel $0xFFFF  }
0xbe: {  	[dreg:$0x0] =	wrdreg $0xFFFFFFFF;
	(pc) =	sbr.abs _section_cstart, $3  }
0xbf: {  	[dreg:$0x1] =	wrdreg $0xFFFFFFFF  }
0xc0: {  	_ =	task.clear_ibuf [dreg:s6], $0x2FFFF;
	_ =	strace $0x9FFFFFFF  }
0xc1: {  	(tm) =	ssettm $0x7FFFFFFF  }
tec
execute0_lowered:
.L_overlay_start_1:
0x0: {  	(tag) =	ssettag $0x1  }
0x1: {  	s0 =	srdreg.scid  }
0x2: {  	s9 =	stileid.u32;
	s1 =	rddreg [dreg:$0x0];
	s2 =	simm.s32 $0x0  }
0x3: {  	s13 =	simm.s32 $0x2;
	s18 =	simm.s32 $0x80;
	s19 =	simm.s32 $0xC80  }
0x4: {  	s15 =	simm.s32 $0x1E80;
	s16 =	simm.s32 $0x1500;
	s17 =	simm.s32 $0x1F00  }
0x5: {  	s20 =	simm.s32 $0x1580;
	s21 =	simm.s32 $0x1F80;
	s22 =	simm.s32 $0x1600  }
0x6: {  	s23 =	simm.s32 $0x2000;
	s24 =	simm.s32 $0x1;
	s25 =	simm.s32 $0x2080  }
0x7: {  	s26 =	simm.s32 $0x2100;
	s0 =	sand.u32 $0x1, s0;
	s3 =	sshll.u32 s9, $0x1  }
0x8: {  	[smem:$0x7FF] =	sst s2;
	s12 =	smul.u32 $0x500, s9;
	s4 =	sor.u32 s0, s3  }
0x9: {  	s28 =	simm.s32 $0x0;
	_ =	strace $0x80000047;
	s5 =	smul.u32 $0x280, s4  }
0xa: {  	s3 =	sadd.s32 $0x1D4CA00, s1;
	s6 =	ssub.s32 $0x2, s0;
	s0 =	smul.u32 $0x280, s0  }
0xb: {  	s4 =	sshll.u32 s4, $0x4;
	s7 =	sshrl.u32 s6, $0x1;
	s5 =	sshrl.u32 s5, $0x3  }
0xc: {  	s11 =	ssub.s32 s6, s7;
	s12 =	sadd.s32 s0, s12;
	s8 =	sadd.s32 s5, s1  }
0xd: {  	s11 =	smax.u32 s11, $0x1;
	s1 =	sadd.s32 s4, s1;
	s4 =	sadd.s32 $0x3200, s8  }
0xe: {  	s5 =	sadd.s32 $0xA00, s8;
	s6 =	sadd.s32 $0x1400, s8;
	s7 =	sadd.s32 $0x1E00, s8  }
0xf: {  	v0 =	vlaneseq.u32;
	v1 =	vimm.f32 $0.0e+00;
	s8 =	sadd.s32 $0x2800, s8;
	s9 =	sadd.s32 $0x3E00, s1;
	s10 =	sadd.s32 $0x3C00, s1  }
.LBB2_1:
0x10: {  	[tilespmem:s2], [sflag:$0x2] =	stream.linear.gather [hbm4b:s4+s2], $0x280, $0x38;
	[tilespmem:$0x2180] =	vst v63  }
0x11: {  	_ =	swait.ge [sflag:s13], $0x280  }
0x12: {  	[sflag:s13] =	ssyncset.done $0x0  }
0x13: {  	s0 =	simm.s32 $0x280;
	[sflag:s13] =	ssyncadd.s32 $0xFFFFFD80  }
0x14: {  	[tilespmem:s0], [sflag:$0x2] =	stream.linear.gather [hbm4b:s5+s2], $0x280, $0x38;
	[tilespmem:$0x2180] =	vst v63  }
0x15: {  	_ =	swait.ge [sflag:s13], $0x280  }
0x16: {  	[sflag:s13] =	ssyncset.done $0x0  }
0x17: {  	s14 =	simm.s32 $0x500;
	[sflag:s13] =	ssyncadd.s32 $0xFFFFFD80  }
0x18: {  	[tilespmem:s14], [sflag:$0x2] =	stream.linear.gather [hbm4b:s6+s2], $0x280, $0x38;
	[tilespmem:$0x2180] =	vst v63  }
0x19: {  	_ =	swait.ge [sflag:s13], $0x280  }
0x1a: {  	[sflag:s13] =	ssyncset.done $0x0  }
0x1b: {  	s1 =	simm.s32 $0x780;
	[sflag:s13] =	ssyncadd.s32 $0xFFFFFD80  }
0x1c: {  	[tilespmem:s1], [sflag:$0x2] =	stream.linear.gather [hbm4b:s7+s2], $0x280, $0x38;
	[tilespmem:$0x2180] =	vst v63  }
0x1d: {  	_ =	swait.ge [sflag:s13], $0x280  }
0x1e: {  	[sflag:s13] =	ssyncset.done $0x0  }
0x1f: {  	s14 =	simm.s32 $0xA00;
	[sflag:s13] =	ssyncadd.s32 $0xFFFFFD80  }
0x20: {  	[tilespmem:s14], [sflag:$0x2] =	stream.linear.gather [hbm4b:s8+s2], $0x280, $0x38;
	[tilespmem:$0x2180] =	vst v63  }
0x21: {  	_ =	swait.ge [sflag:s13], $0x280  }
0x22: {  	[sflag:s13] =	ssyncset.done $0x0  }
0x23: {  	s1 =	sadd.s32 $0x0, s12;
	[sflag:s13] =	ssyncadd.s32 $0xFFFFFD80  }
0x24: {  	v3 =	vor.u32 s1, v0;
	v2 =	vld [tilespmem:s2+$0x0]  }
0x25: {  	vm0 =	vlt.s32 v3, $0x4E1F  }
0x26: {  	v3 =	vnsel vm0, $0x4E1F, v3  }
0x27: {  	v3 =	vmul.u32 $0x5B, v3;
	_ =	sdelay $0x1  }
0x28: {  	v2 =	vadd.s32 v3, v2  }
0x29: {  	v2 =	vshll.u32 v2, $0x2  }
0x2a: {  	s14 =	sand.u32 $0x3F0, s2;
	[tilespmem:s19+$0x0] =	vst v2;
	v3 =	vor.u32 $0x2, v2  }
0x2b: {  	v4 =	vor.u32 $0x1, v2;
	[tilespmem:s14+$0x1180] =	vst v3  }
0x2c: {  	s31 =	sadd.s32 $0x10, s12;
	s30 =	simm.s32 $0x20;
	v2 =	vor.u32 $0x3, v2;
	[tilespmem:s14+$0xF00] =	vst v4  }
0x2d: {  	s29 =	simm.s32 $0x10;
	s0 =	simm.s32 $0xC80;
	s1 =	simm.s32 $0x10;
	[tilespmem:s14+$0x1400] =	vst v2  }
.LBB2_2:
0x2e: {  	p0 =	sne.s32 s30, $0x270;
	v2 =	vld [tilespmem:s1+$0x0];
	v3 =	vor.u32 s31, v0  }
0x2f: {  	vm0 =	vlt.s32 v3, $0x4E1F  }
0x30: {  	v3 =	vnsel vm0, $0x4E1F, v3  }
0x31: {  	v3 =	vmul.u32 $0x5B, v3;
	_ =	sdelay $0x1  }
0x32: {  	v2 =	vadd.s32 v3, v2  }
.Ltmp0:
0x33: {  	s0 =	sadd.s32 $0x10, s0;
	v2 =	vshll.u32 v2, $0x2;
	(pc) =	sbr.rel @p0 .LBB2_2-.Ltmp0, $4  }
0x34: {  	s14 =	sand.u32 $0x3F0, s29;
	s29 =	smov.u32 s30;
	[tilespmem:s0+$0x0] =	vst v2;
	v3 =	vor.u32 $0x1, v2;
	v4 =	vor.u32 $0x2, v2;
	v2 =	vor.u32 $0x3, v2  }
0x35: {  	[tilespmem:s14+$0x1180] =	vst v4  }
0x36: {  	[tilespmem:s14+$0xF00] =	vst v3  }
0x37: {  	s30 =	sadd.s32 $0x10, s30;
	s1 =	sadd.s32 $0x10, s1;
	s31 =	sadd.s32 s29, s12;
	[tilespmem:s14+$0x1400] =	vst v2  }
0x38: {  	v2 =	vld [tilespmem:s1+$0x0];
	v3 =	vor.u32 s31, v0  }
0x39: {  	vm0 =	vlt.s32 v3, $0x4E1F  }
0x3a: {  	v3 =	vnsel vm0, $0x4E1F, v3  }
0x3b: {  	v3 =	vmul.u32 $0x5B, v3;
	_ =	sdelay $0x1  }
0x3c: {  	v2 =	vadd.s32 v3, v2  }
0x3d: {  	s0 =	sadd.s32 $0x10, s0;
	v2 =	vshll.u32 v2, $0x2  }
0x3e: {  	s14 =	sand.u32 $0x3F0, s29;
	[tilespmem:s0+$0x0] =	vst v2;
	v3 =	vor.u32 $0x2, v2  }
0x3f: {  	v4 =	vor.u32 $0x1, v2;
	[tilespmem:s14+$0x1180] =	vst v3  }
0x40: {  	v2 =	vor.u32 $0x3, v2;
	[tilespmem:s14+$0xF00] =	vst v4  }
0x41: {  	s29 =	simm.s32 $0x1680;
	[tilespmem:s14+$0x1400] =	vst v2  }
0x42: {  	[tilespmem:s29], [sflag:$0x1] =	stream.indirect.gather [hbm4b:s3+s18], $0x1, s19, s18, $0xb8;
	[tilespmem:$0x2180] =	vst v63  }
0x43: {  	s1 =	simm.s32 $0xD00;
	s14 =	simm.s32 $0x1700  }
0x44: {  	[tilespmem:s14], [sflag:$0x1] =	stream.indirect.gather [hbm4b:s3+s18], $0x1, s1, s18, $0xb8;
	[tilespmem:$0x2180] =	vst v63  }
0x45: {  	s1 =	simm.s32 $0xD80;
	s14 =	simm.s32 $0x1780  }
0x46: {  	[tilespmem:s14], [sflag:$0x1] =	stream.indirect.gather [hbm4b:s3+s18], $0x1, s1, s18, $0xb8;
	[tilespmem:$0x2180] =	vst v63  }
0x47: {  	s1 =	simm.s32 $0xE00;
	s14 =	simm.s32 $0x1800  }
0x48: {  	[tilespmem:s14], [sflag:$0x1] =	stream.indirect.gather [hbm4b:s3+s18], $0x1, s1, s18, $0xb8;
	[tilespmem:$0x2180] =	vst v63  }
0x49: {  	s1 =	simm.s32 $0xE80;
	s14 =	simm.s32 $0x1880  }
0x4a: {  	[tilespmem:s14], [sflag:$0x1] =	stream.indirect.gather [hbm4b:s3+s18], $0x1, s1, s18, $0xb8;
	[tilespmem:$0x2180] =	vst v63  }
0x4b: {  	s1 =	simm.s32 $0xF00;
	s14 =	simm.s32 $0x1900  }
0x4c: {  	[tilespmem:s14], [sflag:$0x1] =	stream.indirect.gather [hbm4b:s3+s18], $0x1, s1, s18, $0xb8;
	[tilespmem:$0x2180] =	vst v63  }
0x4d: {  	s1 =	simm.s32 $0xF80;
	s14 =	simm.s32 $0x1980  }
0x4e: {  	[tilespmem:s14], [sflag:$0x1] =	stream.indirect.gather [hbm4b:s3+s18], $0x1, s1, s18, $0xb8;
	[tilespmem:$0x2180] =	vst v63  }
0x4f: {  	s1 =	simm.s32 $0x1000;
	s14 =	simm.s32 $0x1A00  }
0x50: {  	[tilespmem:s14], [sflag:$0x1] =	stream.indirect.gather [hbm4b:s3+s18], $0x1, s1, s18, $0xb8;
	[tilespmem:$0x2180] =	vst v63  }
0x51: {  	s1 =	simm.s32 $0x1080;
	s14 =	simm.s32 $0x1A80  }
0x52: {  	[tilespmem:s14], [sflag:$0x1] =	stream.indirect.gather [hbm4b:s3+s18], $0x1, s1, s18, $0xb8;
	[tilespmem:$0x2180] =	vst v63  }
0x53: {  	s1 =	simm.s32 $0x1100;
	s14 =	simm.s32 $0x1B00  }
0x54: {  	[tilespmem:s14], [sflag:$0x1] =	stream.indirect.gather [hbm4b:s3+s18], $0x1, s1, s18, $0xb8;
	[tilespmem:$0x2180] =	vst v63  }
0x55: {  	s1 =	simm.s32 $0x1180;
	s14 =	simm.s32 $0x1B80  }
0x56: {  	[tilespmem:s14], [sflag:$0x1] =	stream.indirect.gather [hbm4b:s3+s18], $0x1, s1, s18, $0xb8;
	[tilespmem:$0x2180] =	vst v63  }
0x57: {  	s1 =	simm.s32 $0x1200;
	s14 =	simm.s32 $0x1C00  }
0x58: {  	[tilespmem:s14], [sflag:$0x1] =	stream.indirect.gather [hbm4b:s3+s18], $0x1, s1, s18, $0xb8;
	[tilespmem:$0x2180] =	vst v63  }
0x59: {  	s1 =	simm.s32 $0x1280;
	s14 =	simm.s32 $0x1C80  }
0x5a: {  	[tilespmem:s14], [sflag:$0x1] =	stream.indirect.gather [hbm4b:s3+s18], $0x1, s1, s18, $0xb8;
	[tilespmem:$0x2180] =	vst v63  }
0x5b: {  	s1 =	simm.s32 $0x1300;
	s14 =	simm.s32 $0x1D00  }
0x5c: {  	[tilespmem:s14], [sflag:$0x1] =	stream.indirect.gather [hbm4b:s3+s18], $0x1, s1, s18, $0xb8;
	[tilespmem:$0x2180] =	vst v63  }
0x5d: {  	s1 =	simm.s32 $0x1380;
	s14 =	simm.s32 $0x1D80  }
0x5e: {  	[tilespmem:s14], [sflag:$0x1] =	stream.indirect.gather [hbm4b:s3+s18], $0x1, s1, s18, $0xb8;
	[tilespmem:$0x2180] =	vst v63  }
0x5f: {  	s1 =	simm.s32 $0x1400;
	s14 =	simm.s32 $0x1E00  }
0x60: {  	[tilespmem:s14], [sflag:$0x1] =	stream.indirect.gather [hbm4b:s3+s18], $0x1, s1, s18, $0xb8;
	[tilespmem:$0x2180] =	vst v63  }
0x61: {  	s14 =	simm.s32 $0x1480  }
0x62: {  	[tilespmem:s15], [sflag:$0x1] =	stream.indirect.gather [hbm4b:s3+s18], $0x1, s14, s18, $0xb8;
	[tilespmem:$0x2180] =	vst v63  }
0x63: {  	_ = 	snop  }
0x64: {  	[tilespmem:s17], [sflag:$0x1] =	stream.indirect.gather [hbm4b:s3+s18], $0x1, s16, s18, $0xb8;
	[tilespmem:$0x2180] =	vst v63  }
0x65: {  	_ = 	snop  }
0x66: {  	[tilespmem:s21], [sflag:$0x1] =	stream.indirect.gather [hbm4b:s3+s18], $0x1, s20, s18, $0xb8;
	[tilespmem:$0x2180] =	vst v63  }
0x67: {  	_ = 	snop  }
0x68: {  	[tilespmem:s23], [sflag:$0x1] =	stream.indirect.gather [hbm4b:s3+s18], $0x1, s22, s18, $0xb8;
	[tilespmem:$0x2180] =	vst v63  }
0x69: {  	_ =	swait.ge [sflag:s24], $0x80  }
0x6a: {  	[sflag:s24] =	ssyncset.done $0x0  }
0x6b: {  	[sflag:s24] =	ssyncadd.s32 $0xFFFFFF80  }
0x6c: {  	_ =	swait.ge [sflag:s24], $0x80  }
0x6d: {  	[sflag:s24] =	ssyncset.done $0x0  }
0x6e: {  	[sflag:s24] =	ssyncadd.s32 $0xFFFFFF80  }
0x6f: {  	_ =	swait.ge [sflag:s24], $0x80  }
0x70: {  	[sflag:s24] =	ssyncset.done $0x0  }
0x71: {  	[sflag:s24] =	ssyncadd.s32 $0xFFFFFF80  }
0x72: {  	_ =	swait.ge [sflag:s24], $0x80  }
0x73: {  	[sflag:s24] =	ssyncset.done $0x0  }
0x74: {  	[sflag:s24] =	ssyncadd.s32 $0xFFFFFF80  }
0x75: {  	_ =	swait.ge [sflag:s24], $0x80  }
0x76: {  	[sflag:s24] =	ssyncset.done $0x0  }
0x77: {  	[sflag:s24] =	ssyncadd.s32 $0xFFFFFF80  }
0x78: {  	_ =	swait.ge [sflag:s24], $0x80  }
0x79: {  	[sflag:s24] =	ssyncset.done $0x0  }
0x7a: {  	[sflag:s24] =	ssyncadd.s32 $0xFFFFFF80  }
0x7b: {  	_ =	swait.ge [sflag:s24], $0x80  }
0x7c: {  	[sflag:s24] =	ssyncset.done $0x0  }
0x7d: {  	[sflag:s24] =	ssyncadd.s32 $0xFFFFFF80  }
0x7e: {  	_ =	swait.ge [sflag:s24], $0x80  }
0x7f: {  	[sflag:s24] =	ssyncset.done $0x0  }
0x80: {  	[sflag:s24] =	ssyncadd.s32 $0xFFFFFF80  }
0x81: {  	_ =	swait.ge [sflag:s24], $0x80  }
0x82: {  	[sflag:s24] =	ssyncset.done $0x0  }
0x83: {  	[sflag:s24] =	ssyncadd.s32 $0xFFFFFF80  }
0x84: {  	_ =	swait.ge [sflag:s24], $0x80  }
0x85: {  	[sflag:s24] =	ssyncset.done $0x0  }
0x86: {  	[sflag:s24] =	ssyncadd.s32 $0xFFFFFF80  }
0x87: {  	_ =	swait.ge [sflag:s24], $0x80  }
0x88: {  	[sflag:s24] =	ssyncset.done $0x0  }
0x89: {  	[sflag:s24] =	ssyncadd.s32 $0xFFFFFF80  }
0x8a: {  	_ =	swait.ge [sflag:s24], $0x80  }
0x8b: {  	[sflag:s24] =	ssyncset.done $0x0  }
0x8c: {  	[sflag:s24] =	ssyncadd.s32 $0xFFFFFF80  }
0x8d: {  	_ =	swait.ge [sflag:s24], $0x80  }
0x8e: {  	[sflag:s24] =	ssyncset.done $0x0  }
0x8f: {  	[sflag:s24] =	ssyncadd.s32 $0xFFFFFF80  }
0x90: {  	_ =	swait.ge [sflag:s24], $0x80  }
0x91: {  	[sflag:s24] =	ssyncset.done $0x0  }
0x92: {  	[sflag:s24] =	ssyncadd.s32 $0xFFFFFF80  }
0x93: {  	_ =	swait.ge [sflag:s24], $0x80  }
0x94: {  	[sflag:s24] =	ssyncset.done $0x0  }
0x95: {  	[sflag:s24] =	ssyncadd.s32 $0xFFFFFF80  }
0x96: {  	_ =	swait.ge [sflag:s24], $0x80  }
0x97: {  	[sflag:s24] =	ssyncset.done $0x0  }
0x98: {  	[sflag:s24] =	ssyncadd.s32 $0xFFFFFF80  }
0x99: {  	_ =	swait.ge [sflag:s24], $0x80  }
0x9a: {  	[sflag:s24] =	ssyncset.done $0x0  }
0x9b: {  	[sflag:s24] =	ssyncadd.s32 $0xFFFFFF80  }
0x9c: {  	_ =	swait.ge [sflag:s24], $0x80  }
0x9d: {  	[sflag:s24] =	ssyncset.done $0x0  }
0x9e: {  	[sflag:s24] =	ssyncadd.s32 $0xFFFFFF80  }
0x9f: {  	_ =	swait.ge [sflag:s24], $0x80  }
0xa0: {  	[sflag:s24] =	ssyncset.done $0x0  }
0xa1: {  	[sflag:s24] =	ssyncadd.s32 $0xFFFFFF80  }
0xa2: {  	_ =	swait.ge [sflag:s24], $0x80  }
0xa3: {  	[sflag:s24] =	ssyncset.done $0x0  }
0xa4: {  	s1 =	simm.s32 $0x0;
	[sflag:s24] =	ssyncadd.s32 $0xFFFFFF80  }
0xa5: {  	s0 =	sand.u32 $0x3F0, s1;
	v2 =	vld [tilespmem:s1+$0x0]  }
0xa6: {  	v3 =	vld [tilespmem:s0+$0x1E00]  }
0xa7: {  	v4 =	vld [tilespmem:s0+$0xA00]  }
0xa8: {  	v6 =	vld [tilespmem:s0+$0x1B80]  }
0xa9: {  	v7 =	vld [tilespmem:s0+$0x780]  }
0xaa: {  	v8 =	vld [tilespmem:s0+$0x1900]  }
0xab: {  	s14 =	simm.s32 $0x280;
	v9 =	vld [tilespmem:s29+$0x0]  }
0xac: {  	v11 =	vld [tilespmem:s14+$0x0]  }
0xad: {  	v12 =	vld [tilespmem:s0+$0x500];
	_ =	sdelay $0x3  }
0xae: {  	v10 =	vimm.f32 $0.0e+00;
	s29 =	simm.s32 $0x10;
	v5 =	vsub.f32 v3, v4;
	v3 =	vsub.f32 v9, v11  }
0xaf: {  	s30 =	sand.u32 $0x3F0, s29;
	v4 =	vld [tilespmem:s29+$0x0];
	vm13 =	vgt.s32 v2, $0x0;
	v12 =	vsub.f32 v8, v12;
	v18 =	vsub.f32 v6, v7  }
0xb0: {  	v7 =	vld [tilespmem:s30+$0x1E00];
	v2 =	vsel vm13, $0x3F800000, v1;
	v8 =	vmul.f32 $5.000000000e-01, v3;
	v14 =	vand.u32 $0x7FFFFFFF, v3  }
0xb1: {  	v9 =	vld [tilespmem:s30+$0xA00];
	v11 =	vand.u32 $0x7FFFFFFF, v5;
	v13 =	vmul.f32 $5.000000000e-01, v5;
	v15 =	vmul.f32 $5.000000000e-01, v12  }
0xb2: {  	s31 =	simm.s32 $0x1690;
	v6 =	vld [tilespmem:s30+$0x1B80];
	v17 =	vand.u32 $0x7FFFFFFF, v12;
	v16 =	vadd.f32 $-5.000000000e-01, v14;
	v3 =	vmul.f32 v8, v3  }
0xb3: {  	vm14 =	vlt.f32 v14, $1.000000000e+00;
	v19 =	vadd.f32 $-5.000000000e-01, v17;
	v14 =	vld [tilespmem:s31+$0x0];
	v15 =	vmul.f32 v15, v12  }
0xb4: {  	v20 =	vmul.f32 $5.000000000e-01, v18;
	vm15 =	vlt.f32 v17, $1.000000000e+00;
	v8 =	vld [tilespmem:s30+$0x780];
	v3 =	vsel vm14, v3, v16  }
0xb5: {  	s1 =	simm.s32 $0x290;
	v12 =	vld [tilespmem:s30+$0x1900];
	v16 =	vand.u32 $0x7FFFFFFF, v18;
	v19 =	vsel vm15, v15, v19;
	v17 =	vmul.f32 v3, v2  }
0xb6: {  	s0 =	simm.s32 $0x20;
	v15 =	vld [tilespmem:s1+$0x0];
	v18 =	vmul.f32 v20, v18;
	v20 =	vadd.f32 $-5.000000000e-01, v16;
	v3 =	vimm.f32 $0.0e+00  }
.LBB2_4:
0xb7: {  	p0 =	sne.s32 s0, $0x270;
	v21 =	vld [tilespmem:s30+$0x500];
	v10 =	vadd.f32 v17, v10;
	v17 =	vmul.f32 v19, v2;
	vm0 =	vlt.f32 v16, $1.000000000e+00  }
0xb8: {  	v13 =	vmul.f32 v13, v5;
	v16 =	vsel vm0, v18, v20;
	v18 =	vadd.f32 $-5.000000000e-01, v11  }
0xb9: {  	vm0 =	vlt.f32 v11, $1.000000000e+00;
	v10 =	vadd.f32 v17, v10;
	v16 =	vmul.f32 v16, v2  }
0xba: {  	v5 =	vsub.f32 v7, v9;
	v3 =	vadd.f32 v2, v3;
	v7 =	vsel vm0, v13, v18  }
0xbb: {  	s29 =	sadd.s32 $0x10, s29;
	v14 =	vsub.f32 v14, v15;
	v9 =	vadd.f32 v16, v10;
	v10 =	vmul.f32 v7, v2  }
0xbc: {  	s30 =	sand.u32 $0x3F0, s0;
	vm0 =	vgt.s32 v4, $0x0;
	v18 =	vsub.f32 v6, v8;
	v4 =	vld [tilespmem:s29+$0x0];
	v15 =	vsub.f32 v12, v21  }
0xbd: {  	v2 =	vsel vm0, $0x3F800000, v1;
	v7 =	vld [tilespmem:s30+$0x1E00];
	v8 =	vmul.f32 $5.000000000e-01, v14;
	v10 =	vadd.f32 v10, v9  }
0xbe: {  	v11 =	vand.u32 $0x7FFFFFFF, v5;
	v13 =	vmul.f32 $5.000000000e-01, v5;
	v12 =	vand.u32 $0x7FFFFFFF, v14;
	v9 =	vld [tilespmem:s30+$0xA00]  }
.Ltmp1:
0xbf: {  	v16 =	vadd.f32 $-5.000000000e-01, v12;
	v17 =	vmul.f32 $5.000000000e-01, v15;
	v6 =	vld [tilespmem:s30+$0x1B80];
	v14 =	vmul.f32 v8, v14;
	(pc) =	sbr.rel @p0 .LBB2_4-.Ltmp1, $4  }
0xc0: {  	v20 =	vmul.f32 $5.000000000e-01, v18;
	vm0 =	vlt.f32 v12, $1.000000000e+00;
	v19 =	vand.u32 $0x7FFFFFFF, v15;
	v8 =	vld [tilespmem:s30+$0x780]  }
0xc1: {  	s31 =	sadd.s32 $0x10, s31;
	v22 =	vadd.f32 $-5.000000000e-01, v19;
	v21 =	vmul.f32 v17, v15;
	v12 =	vld [tilespmem:s30+$0x1900];
	v16 =	vsel vm0, v14, v16  }
0xc2: {  	s1 =	sadd.s32 $0x10, s1;
	vm0 =	vlt.f32 v19, $1.000000000e+00;
	v14 =	vld [tilespmem:s31+$0x0];
	v17 =	vmul.f32 v16, v2;
	v16 =	vand.u32 $0x7FFFFFFF, v18  }
0xc3: {  	s0 =	sadd.s32 $0x10, s0;
	v19 =	vsel vm0, v21, v22;
	v18 =	vmul.f32 v20, v18;
	v15 =	vld [tilespmem:s1+$0x0];
	v20 =	vadd.f32 $-5.000000000e-01, v16  }
0xc4: {  	v10 =	vadd.f32 v17, v10;
	v44 =	vmul.f32 v19, v2  }
0xc5: {  	v21 =	vld [tilespmem:s30+$0x500];
	vm0 =	vlt.f32 v16, $1.000000000e+00;
	v5 =	vmul.f32 v13, v5;
	v45 =	vadd.f32 $-5.000000000e-01, v11  }
0xc6: {  	vm10 =	vlt.f32 v11, $1.000000000e+00;
	v7 =	vsub.f32 v7, v9;
	vm11 =	vgt.s32 v4, $0x0  }
0xc7: {  	v16 =	vsel vm0, v18, v20;
	v6 =	vsub.f32 v6, v8;
	v48 =	vsel vm11, $0x3F800000, v1  }
0xc8: {  	v10 =	vadd.f32 v44, v10;
	v16 =	vmul.f32 v16, v2;
	v46 =	vsub.f32 v14, v15  }
0xc9: {  	v5 =	vsel vm10, v5, v45;
	v51 =	vand.u32 $0x7FFFFFFF, v7;
	v52 =	vmul.f32 $5.000000000e-01, v7  }
0xca: {  	v5 =	vmul.f32 v5, v2;
	v47 =	vsub.f32 v12, v21;
	v49 =	vmul.f32 $5.000000000e-01, v46  }
0xcb: {  	v56 =	vmul.f32 $5.000000000e-01, v6;
	v58 =	vand.u32 $0x7FFFFFFF, v6;
	v50 =	vand.u32 $0x7FFFFFFF, v46  }
0xcc: {  	v53 =	vadd.f32 $-5.000000000e-01, v50;
	v54 =	vmul.f32 $5.000000000e-01, v47;
	v9 =	vmul.f32 v49, v46  }
0xcd: {  	v10 =	vadd.f32 v16, v10;
	vm12 =	vlt.f32 v50, $1.000000000e+00;
	v55 =	vand.u32 $0x7FFFFFFF, v47  }
0xce: {  	v57 =	vadd.f32 $-5.000000000e-01, v55;
	v4 =	vmul.f32 v54, v47;
	v9 =	vsel vm12, v9, v53  }
0xcf: {  	v5 =	vadd.f32 v5, v10;
	vm13 =	vlt.f32 v55, $1.000000000e+00;
	v9 =	vmul.f32 v9, v48  }
0xd0: {  	v59 =	vadd.f32 $-5.000000000e-01, v58;
	v6 =	vmul.f32 v56, v6;
	v4 =	vsel vm13, v4, v57  }
0xd1: {  	vm14 =	vlt.f32 v58, $1.000000000e+00;
	v4 =	vmul.f32 v4, v48;
	v5 =	vadd.f32 v9, v5  }
0xd2: {  	v60 =	vadd.f32 $-5.000000000e-01, v51;
	v7 =	vmul.f32 v52, v7;
	v6 =	vsel vm14, v6, v59  }
0xd3: {  	vm15 =	vlt.f32 v51, $1.000000000e+00;
	v61 =	vmul.f32 v6, v48;
	v4 =	vadd.f32 v4, v5  }
0xd4: {  	v2 =	vadd.f32 v2, v3;
	v62 =	vsel vm15, v7, v60  }
0xd5: {  	v63 =	vmul.f32 v62, v48;
	v4 =	vadd.f32 v61, v4  }
0xd6: {  	v2 =	vadd.f32 v48, v2  }
0xd7: {  	v3 =	vadd.f32 v63, v4  }
0xd8: {  	[tilespmem:$0x2100] =	vst v2  }
0xd9: {  	[tilespmem:$0x2080] =	vst v3  }
0xda: {  	[hbm4b:s9+s2] =	stream.linear.scatter [tilespmem:s25], [sflag:$0x2], $0x80, $0x38;
	[tilespmem:$0x2180] =	vst v63  }
0xdb: {  	s28 =	sadd.s32 $0x1, s28;
	_ =	swait.ge [sflag:s13], $0x80  }
0xdc: {  	p0 =	sne.s32 s28, s11;
	[sflag:s13] =	ssyncset.done $0x0  }
.Ltmp2:
0xdd: {  	[sflag:s13] =	ssyncadd.s32 $0xFFFFFF80;
	(pc) =	sbr.rel @p0 .LBB2_1-.Ltmp2, $4  }
0xde: {  	[hbm4b:s10+s2] =	stream.linear.scatter [tilespmem:s26], [sflag:$0x2], $0x80, $0x38;
	[tilespmem:$0x2180] =	vst v63  }
0xdf: {  	_ =	swait.ge [sflag:s13], $0x80  }
0xe0: {  	[sflag:s13] =	ssyncset.done $0x0  }
0xe1: {  	[sflag:s13] =	ssyncadd.s32 $0xFFFFFF80  }
0xe2: {  	_ =	sfence.sel $0x180000  }
0xe3: {  	[bflag:$0x0] =	sbarrier.arrive $0xFFFF  }
0xe4: {  	_ =	strace $0x90000047  }
0xe5: {  	s0 =	stileid.u32;
	[bflag:$0x2] =	sbarrier.arrive $0xFFFF  }
0xe6: {  	p0 =	sne.s32 s0, $0x0;
	s0 =	rddreg [dreg:$0x1]  }
0xe7: {  	s0 =	sadd.s32 @!p0 $0x100000, s0  }
0xe8: {  	[sflag:s0] =	ssyncadd.tile.s32 @!p0 $0x1;
	_ =	shalt  }
.Lfunc_end2:
_tile_overlayer_lowered:
.L_overlay_start_2:
0xe9: {  	(tag) =	ssettag $0x2  }
0xea: {  	s0 =	rddreg [dreg:$0x0];
	s2 =	stileid.u32  }
0xeb: {  	s1 =	rddreg [dreg:$0x1];
	p0 =	sne.s32 s2, $0x0  }
0xec: {  	s3 =	rddreg [dreg:$0x2];
	[bflag:$0x3] =	sbarrier.arrive $0xFFFF;
	s2 =	simm.s32 @!p0 $0x1C02  }
0xed: {  	[timem:s3], [sflag:s2] =	dma.local @!p0 [hbm:s0], s1  }
0xee: {  	s0 =	simm.s32 @!p0 $0x2  }
0xef: {  	_ =	swait.ge @!p0 [sflag:s0], s1  }
0xf0: {  	s1 =	ssub.s32 @!p0 $0x0, s1;
	[sflag:s0] =	ssyncset.done @!p0 $0x0  }
0xf1: {  	[sflag:s0] =	ssyncadd.s32 @!p0 s1  }
0xf2: {  	[bflag:$0x3] =	sbarrier.arrive $0xFFFF  }
0xf3: {  	_ =	shalt  }

</sc_bundles>
